<compile_context>
chip_gen: v7x
topology: tpu7x:2x2x1
jax: 0.10.2.dev20260603
libtpu: 0.0.44.dev20260713+nightly
codegen_flags: <defaults>
</compile_context>

<pallas_src>
import functools

import jax
import jax.numpy as jnp
from jax import lax
from jax.experimental import pallas as pl
from jax.experimental.pallas import tpu as pltpu
from jax.experimental.pallas import tpu_sc as plsc

H = 4
C = 32



def _proj_body(x_ref, wq_ref, bq_ref, wk_ref, bk_ref, wv_ref, bv_ref,
               q_ref, k_ref, v_ref):
  xb = x_ref[...]
  q = jnp.dot(xb, wq_ref[...], preferred_element_type=jnp.float32) + bq_ref[...]
  q_ref[...] = q * (1.0 / jnp.sqrt(float(C)))
  k_ref[...] = jnp.dot(xb, wk_ref[...], preferred_element_type=jnp.float32) + bk_ref[...]
  v_ref[...] = jnp.dot(xb, wv_ref[...], preferred_element_type=jnp.float32) + bv_ref[...]


def _projections(x, wq, bq, wk, bk, wv, bv, row_blk):
  n, d_in = x.shape
  d_out = wq.shape[1]
  grid = n // row_blk
  wspec = pl.BlockSpec((d_in, d_out), lambda i: (0, 0))
  bspec = pl.BlockSpec((d_out,), lambda i: (0,))
  rspec = pl.BlockSpec((row_blk, d_out), lambda i: (i, 0))
  return pl.pallas_call(
      _proj_body,
      grid=(grid,),
      in_specs=[pl.BlockSpec((row_blk, d_in), lambda i: (i, 0)),
                wspec, bspec, wspec, bspec, wspec, bspec],
      out_specs=[rspec, rspec, rspec],
      out_shape=[jax.ShapeDtypeStruct((n, d_out), jnp.float32)] * 3,
  )(x, wq, bq, wk, bk, wv, bv)



_B = 40


def _edge_kernel(n_nodes, n_edges, d_out, dw):
  mesh = plsc.VectorSubcoreMesh(core_axis_name="c", subcore_axis_name="s")
  nc, ns = 2, 16
  nw = nc * ns
  epw = n_edges // nw
  nb = epw // _B
  rpt = n_nodes // ns
  _CH = 25
  nch = rpt // _CH

  @functools.partial(
      pl.kernel,
      mesh=mesh,
      compiler_params=pltpu.CompilerParams(use_tc_tiling_on_sc=False,
                                           needs_layout_passes=False),
      out_type=jax.ShapeDtypeStruct((nc, n_nodes, dw), jnp.float32),
      scratch_types=[
          pltpu.VMEM((_B,), jnp.int32),
          pltpu.VMEM((_B,), jnp.int32),
          pltpu.VMEM((_B, d_out), jnp.float32),
          pltpu.VMEM((_B, d_out), jnp.float32),
          pltpu.VMEM((_B, d_out), jnp.float32),
          pltpu.VMEM((_B, dw), jnp.float32),
          pltpu.VMEM_SHARED((n_nodes, dw), jnp.float32),
      ],
  )
  def body(src_hbm, dst_hbm, q_hbm, k_hbm, v_hbm, out_hbm,
           sidx, didx, qd, ks, vs, msg, acc):
    c = lax.axis_index("c")
    s = lax.axis_index("s")
    wid = s * nc + c

    @pl.loop(0, _B)
    def _zrow(r):
      for j in range(dw // 16):
        msg[r, pl.ds(16 * j, 16)] = jnp.zeros((16,), jnp.float32)

    @pl.loop(0, nch)
    def _zchunk(i):
      pltpu.sync_copy(msg.at[pl.ds(0, _CH)],
                      acc.at[pl.ds(s * rpt + i * _CH, _CH)])

    plsc.subcore_barrier()

    @pl.loop(0, nb)
    def _batch(b):
      base = wid * epw + b * _B
      pltpu.sync_copy(src_hbm.at[pl.ds(base, _B)], sidx)
      pltpu.sync_copy(dst_hbm.at[pl.ds(base, _B)], didx)
      pltpu.sync_copy(q_hbm.at[didx], qd)
      pltpu.sync_copy(k_hbm.at[sidx], ks)
      pltpu.sync_copy(v_hbm.at[sidx], vs)

      @pl.loop(0, _B)
      def _edge(e):
        exv = jnp.zeros((16,), jnp.float32)
        for h in range(H):
          o0 = h * C
          p = (qd[e, pl.ds(o0, 16)] * ks[e, pl.ds(o0, 16)]
               + qd[e, pl.ds(o0 + 16, 16)] * ks[e, pl.ds(o0 + 16, 16)])
          a = jnp.sum(p)
          ex = jnp.exp(lax.broadcast(a, (16,)))
          msg[e, pl.ds(o0, 16)] = vs[e, pl.ds(o0, 16)] * ex
          msg[e, pl.ds(o0 + 16, 16)] = vs[e, pl.ds(o0 + 16, 16)] * ex
          exv = jnp.where(lax.iota(jnp.int32, 16) == h, ex, exv)
        msg[e, pl.ds(d_out, 16)] = exv

      pltpu.sync_copy(msg, acc.at[didx], add=True)

    plsc.subcore_barrier()

    @pl.loop(0, nch)
    def _fchunk(i):
      pltpu.sync_copy(acc.at[pl.ds(s * rpt + i * _CH, _CH)],
                      msg.at[pl.ds(0, _CH)])
      pltpu.sync_copy(msg.at[pl.ds(0, _CH)],
                      out_hbm.at[c, pl.ds(s * rpt + i * _CH, _CH)])

  return body




def _out_body(acc_ref, x_ref, ws_ref, bs_ref, e2_ref, gamma_ref, beta_ref,
              o_ref):
  a = acc_ref[0] + acc_ref[1]
  den = jnp.dot(a, e2_ref[...], preferred_element_type=jnp.float32)
  msg = a[:, :o_ref.shape[1]]
  skip = jnp.dot(x_ref[...], ws_ref[...],
                 preferred_element_type=jnp.float32) + bs_ref[...]
  o = msg / (den + 1e-16) + skip
  o = o * 0.5 * (1.0 + lax.erf(o * (1.0 / jnp.sqrt(2.0).astype(jnp.float32))))
  mu = jnp.mean(o, axis=1, keepdims=True)
  var = jnp.mean((o - mu) * (o - mu), axis=1, keepdims=True)
  o = (o - mu) / jnp.sqrt(var + 1e-5) * gamma_ref[...] + beta_ref[...]
  o_ref[...] = o


def _combine(acc, x, ws, bs, e2, gamma, beta_ln, row_blk):
  n, d_in = x.shape
  d_out = ws.shape[1]
  dw = acc.shape[2]
  grid = n // row_blk
  return pl.pallas_call(
      _out_body,
      grid=(grid,),
      in_specs=[pl.BlockSpec((2, row_blk, dw), lambda i: (0, i, 0)),
                pl.BlockSpec((row_blk, d_in), lambda i: (i, 0)),
                pl.BlockSpec((d_in, d_out), lambda i: (0, 0)),
                pl.BlockSpec((d_out,), lambda i: (0,)),
                pl.BlockSpec((dw, d_out), lambda i: (0, 0)),
                pl.BlockSpec((d_out,), lambda i: (0,)),
                pl.BlockSpec((d_out,), lambda i: (0,))],
      out_specs=pl.BlockSpec((row_blk, d_out), lambda i: (i, 0)),
      out_shape=jax.ShapeDtypeStruct((n, d_out), jnp.float32),
  )(acc, x, ws, bs, e2, gamma, beta_ln)




def kernel(x, edge_index, Wq, bq, Wk, bk, Wv, bv, Ws, bs, gamma, beta_ln):
  n, d_in = x.shape
  n_edges = edge_index.shape[1]
  d_out = Wq.shape[1]
  dw = d_out + 16

  q, k, v = _projections(x, Wq, bq, Wk, bk, Wv, bv, row_blk=1000)

  src = edge_index[0]
  dst = edge_index[1]
  acc = _edge_kernel(n, n_edges, d_out, dw)(src, dst, q, k, v)

  r = lax.broadcasted_iota(jnp.int32, (dw, d_out), 0)
  c = lax.broadcasted_iota(jnp.int32, (dw, d_out), 1)
  e2 = (r == d_out + c // C).astype(jnp.float32)

  return _combine(acc, x, Ws, bs, e2, gamma, beta_ln, row_blk=1000)

# --- scband reference (transcript-rebuilt; emitter-appended) ---
"""Pipeline reference for scband-graph-transformer-layer-46514495816136 (READ-ONLY COPY).

The authoritative reference and input builder live on the scoring server;
editing this copy changes nothing except your own understanding.
"""

import jax, jax.numpy as jnp
import numpy as np

N = 10000
E = 320000
D_IN = 128
H = 4
C = 32
D_OUT = H * C


def setup_inputs(seed: int = 0) -> dict:
    key = jax.random.key(seed)
    ks = jax.random.split(key, 8)
    x = jax.random.normal(ks[0], (N, D_IN), dtype=jnp.float32)
    edge_index = jax.random.randint(ks[1], (2, E), 0, N, dtype=jnp.int32)
    s = 1.0 / np.sqrt(D_IN)
    Wq = jax.random.normal(ks[2], (D_IN, D_OUT), dtype=jnp.float32) * s
    bq = jnp.zeros((D_OUT,), dtype=jnp.float32)
    Wk = jax.random.normal(ks[3], (D_IN, D_OUT), dtype=jnp.float32) * s
    bk = jnp.zeros((D_OUT,), dtype=jnp.float32)
    Wv = jax.random.normal(ks[4], (D_IN, D_OUT), dtype=jnp.float32) * s
    bv = jnp.zeros((D_OUT,), dtype=jnp.float32)
    Ws = jax.random.normal(ks[5], (D_IN, D_OUT), dtype=jnp.float32) * s
    bs = jnp.zeros((D_OUT,), dtype=jnp.float32)
    gamma = jnp.ones((D_OUT,), dtype=jnp.float32)
    beta_ln = jnp.zeros((D_OUT,), dtype=jnp.float32)
    return {"x": x, "edge_index": edge_index, "Wq": Wq, "bq": bq, "Wk": Wk, "bk": bk,
            "Wv": Wv, "bv": bv, "Ws": Ws, "bs": bs, "gamma": gamma, "beta_ln": beta_ln}


def reference(x, edge_index, Wq, bq, Wk, bk, Wv, bv, Ws, bs, gamma, beta_ln):
    # TransformerConv (PyG semantics, beta=False, concat=True, root_weight=True, dropout=0)
    src = edge_index[0]
    dst = edge_index[1]
    q = (x @ Wq + bq).reshape(N, H, C)
    k = (x @ Wk + bk).reshape(N, H, C)
    v = (x @ Wv + bv).reshape(N, H, C)
    # per-edge attention logits: dot(query_dst, key_src) / sqrt(C)  -> [E, H]
    alpha = jnp.sum(q[dst] * k[src], axis=-1) / jnp.sqrt(float(C))
    # segment softmax over edges grouped by destination node
    amax = jax.ops.segment_max(alpha, dst, num_segments=N)
    amax = jnp.where(jnp.isfinite(amax), amax, 0.0)
    ex = jnp.exp(alpha - amax[dst])
    denom = jax.ops.segment_sum(ex, dst, num_segments=N)
    a = ex / (denom[dst] + 1e-16)
    # weighted message aggregation (scatter-add by dst)
    msg = v[src] * a[:, :, None]
    out = jax.ops.segment_sum(msg, dst, num_segments=N).reshape(N, D_OUT)
    # root/skip connection
    out = out + x @ Ws + bs
    # GraphTransformerLayer: gelu -> dropout(0) -> layernorm
    out = jax.nn.gelu(out, approximate=False)
    mu = jnp.mean(out, axis=-1, keepdims=True)
    var = jnp.var(out, axis=-1, keepdims=True)
    out = (out - mu) / jnp.sqrt(var + 1e-5) * gamma + beta_ln
    return out

if __name__ == "__main__":
    import jax
    _d = setup_inputs()
    print(jax.jit(kernel)(*tuple(_d.values())))

</pallas_src>

<mosaic_0001>
#map = affine_map<(d0, d1) -> (0)>
#map1 = affine_map<(d0, d1) -> (0, 0)>
#map2 = affine_map<(d0, d1) -> (0, 0, 0)>
module attributes {stable_mosaic.version = 14 : i64} {
  func.func @body(%arg0: i32, %arg1: i32, %arg2: memref<320000xi32, #tpu.memory_space<hbm>>, %arg3: memref<320000xi32, #tpu.memory_space<hbm>>, %arg4: memref<10000x128xf32, #tpu.memory_space<hbm>>, %arg5: memref<10000x128xf32, #tpu.memory_space<hbm>>, %arg6: memref<10000x128xf32, #tpu.memory_space<hbm>>, %arg7: memref<2x10000x144xf32, #tpu.memory_space<hbm>>, %arg8: memref<40xi32, #tpu.memory_space<vmem>>, %arg9: memref<40xi32, #tpu.memory_space<vmem>>, %arg10: memref<40x128xf32, #tpu.memory_space<vmem>>, %arg11: memref<40x128xf32, #tpu.memory_space<vmem>>, %arg12: memref<40x128xf32, #tpu.memory_space<vmem>>, %arg13: memref<40x144xf32, #tpu.memory_space<vmem>>, %arg14: memref<10000x144xf32, #tpu.memory_space<vmem_shared>>) attributes {dimension_semantics = [#tpu.dimension_semantics<core_parallel>, #tpu.dimension_semantics<subcore_parallel>], iteration_bounds = array<i64: 2, 16>, scalar_prefetch = 0 : i64, scratch_operands = 7 : i64, tpu.core_type = #tpu.core_type<sc_vector_subcore>, window_params = [{transform_indices = #map}, {transform_indices = #map}, {transform_indices = #map1}, {transform_indices = #map1}, {transform_indices = #map1}, {transform_indices = #map2}]} {
    %mul3A = arith.constant 2 : i32
    %mul3A_0 = arith.muli %arg1, %mul3A : i32
    %add3A = arith.addi %mul3A_0, %arg0 : i32
    %scan3A = arith.constant 0 : i32
    %scan3A_1 = arith.constant 40 : i32
    %scan3A_2 = arith.addi %scan3A, %scan3A_1 : i32
    %scan3A_3 = arith.constant 1 : i32
    scf.for %scan3A_21 = %scan3A to %scan3A_2 step %scan3A_3  : i32 {
      %mul3A_22 = arith.constant 1 : i32
      %mul3A_23 = arith.muli %scan3A_21, %mul3A_22 : i32
      %add3A_24 = arith.constant 0 : i32
      %add3A_25 = arith.addi %add3A_24, %mul3A_23 : i32
      %broadcast_in_dim3A = arith.constant 0.000000e+00 : f32
      %broadcast_in_dim3A_26 = vector.broadcast %broadcast_in_dim3A : f32 to vector<16xf32>
      %swap3A = arith.index_cast %add3A_25 : i32 to index
      %swap3A_27 = arith.constant 0 : index
      %swap3A_28 = tpu.vector_load %arg13[%swap3A, %swap3A_27] {strides = array<i32>} : memref<40x144xf32, #tpu.memory_space<vmem>>, vector<16xf32>,
      tpu.vector_store %arg13[%swap3A, %swap3A_27], %broadcast_in_dim3A_26 {strides = array<i32>} : memref<40x144xf32, #tpu.memory_space<vmem>>, vector<16xf32>,
      %broadcast_in_dim3A_29 = arith.constant 0.000000e+00 : f32
      %broadcast_in_dim3A_30 = vector.broadcast %broadcast_in_dim3A_29 : f32 to vector<16xf32>
      %swap3A_31 = arith.index_cast %add3A_25 : i32 to index
      %swap3A_32 = arith.constant 16 : index
      %swap3A_33 = tpu.vector_load %arg13[%swap3A_31, %swap3A_32] {strides = array<i32>} : memref<40x144xf32, #tpu.memory_space<vmem>>, vector<16xf32>,
      tpu.vector_store %arg13[%swap3A_31, %swap3A_32], %broadcast_in_dim3A_30 {strides = array<i32>} : memref<40x144xf32, #tpu.memory_space<vmem>>, vector<16xf32>,
      %broadcast_in_dim3A_34 = arith.constant 0.000000e+00 : f32
      %broadcast_in_dim3A_35 = vector.broadcast %broadcast_in_dim3A_34 : f32 to vector<16xf32>
      %swap3A_36 = arith.index_cast %add3A_25 : i32 to index
      %swap3A_37 = arith.constant 32 : index
      %swap3A_38 = tpu.vector_load %arg13[%swap3A_36, %swap3A_37] {strides = array<i32>} : memref<40x144xf32, #tpu.memory_space<vmem>>, vector<16xf32>,
      tpu.vector_store %arg13[%swap3A_36, %swap3A_37], %broadcast_in_dim3A_35 {strides = array<i32>} : memref<40x144xf32, #tpu.memory_space<vmem>>, vector<16xf32>,
      %broadcast_in_dim3A_39 = arith.constant 0.000000e+00 : f32
      %broadcast_in_dim3A_40 = vector.broadcast %broadcast_in_dim3A_39 : f32 to vector<16xf32>
      %swap3A_41 = arith.index_cast %add3A_25 : i32 to index
      %swap3A_42 = arith.constant 48 : index
      %swap3A_43 = tpu.vector_load %arg13[%swap3A_41, %swap3A_42] {strides = array<i32>} : memref<40x144xf32, #tpu.memory_space<vmem>>, vector<16xf32>,
      tpu.vector_store %arg13[%swap3A_41, %swap3A_42], %broadcast_in_dim3A_40 {strides = array<i32>} : memref<40x144xf32, #tpu.memory_space<vmem>>, vector<16xf32>,
      %broadcast_in_dim3A_44 = arith.constant 0.000000e+00 : f32
      %broadcast_in_dim3A_45 = vector.broadcast %broadcast_in_dim3A_44 : f32 to vector<16xf32>
      %swap3A_46 = arith.index_cast %add3A_25 : i32 to index
      %swap3A_47 = arith.constant 64 : index
      %swap3A_48 = tpu.vector_load %arg13[%swap3A_46, %swap3A_47] {strides = array<i32>} : memref<40x144xf32, #tpu.memory_space<vmem>>, vector<16xf32>,
      tpu.vector_store %arg13[%swap3A_46, %swap3A_47], %broadcast_in_dim3A_45 {strides = array<i32>} : memref<40x144xf32, #tpu.memory_space<vmem>>, vector<16xf32>,
      %broadcast_in_dim3A_49 = arith.constant 0.000000e+00 : f32
      %broadcast_in_dim3A_50 = vector.broadcast %broadcast_in_dim3A_49 : f32 to vector<16xf32>
      %swap3A_51 = arith.index_cast %add3A_25 : i32 to index
      %swap3A_52 = arith.constant 80 : index
      %swap3A_53 = tpu.vector_load %arg13[%swap3A_51, %swap3A_52] {strides = array<i32>} : memref<40x144xf32, #tpu.memory_space<vmem>>, vector<16xf32>,
      tpu.vector_store %arg13[%swap3A_51, %swap3A_52], %broadcast_in_dim3A_50 {strides = array<i32>} : memref<40x144xf32, #tpu.memory_space<vmem>>, vector<16xf32>,
      %broadcast_in_dim3A_54 = arith.constant 0.000000e+00 : f32
      %broadcast_in_dim3A_55 = vector.broadcast %broadcast_in_dim3A_54 : f32 to vector<16xf32>
      %swap3A_56 = arith.index_cast %add3A_25 : i32 to index
      %swap3A_57 = arith.constant 96 : index
      %swap3A_58 = tpu.vector_load %arg13[%swap3A_56, %swap3A_57] {strides = array<i32>} : memref<40x144xf32, #tpu.memory_space<vmem>>, vector<16xf32>,
      tpu.vector_store %arg13[%swap3A_56, %swap3A_57], %broadcast_in_dim3A_55 {strides = array<i32>} : memref<40x144xf32, #tpu.memory_space<vmem>>, vector<16xf32>,
      %broadcast_in_dim3A_59 = arith.constant 0.000000e+00 : f32
      %broadcast_in_dim3A_60 = vector.broadcast %broadcast_in_dim3A_59 : f32 to vector<16xf32>
      %swap3A_61 = arith.index_cast %add3A_25 : i32 to index
      %swap3A_62 = arith.constant 112 : index
      %swap3A_63 = tpu.vector_load %arg13[%swap3A_61, %swap3A_62] {strides = array<i32>} : memref<40x144xf32, #tpu.memory_space<vmem>>, vector<16xf32>,
      tpu.vector_store %arg13[%swap3A_61, %swap3A_62], %broadcast_in_dim3A_60 {strides = array<i32>} : memref<40x144xf32, #tpu.memory_space<vmem>>, vector<16xf32>,
      %broadcast_in_dim3A_64 = arith.constant 0.000000e+00 : f32
      %broadcast_in_dim3A_65 = vector.broadcast %broadcast_in_dim3A_64 : f32 to vector<16xf32>
      %swap3A_66 = arith.index_cast %add3A_25 : i32 to index
      %swap3A_67 = arith.constant 128 : index
      %swap3A_68 = tpu.vector_load %arg13[%swap3A_66, %swap3A_67] {strides = array<i32>} : memref<40x144xf32, #tpu.memory_space<vmem>>, vector<16xf32>,
      tpu.vector_store %arg13[%swap3A_66, %swap3A_67], %broadcast_in_dim3A_65 {strides = array<i32>} : memref<40x144xf32, #tpu.memory_space<vmem>>, vector<16xf32>,
    }
    %scan3A_4 = arith.constant 40 : i32
    %scan3A_5 = arith.constant 0 : i32
    %scan3A_6 = arith.constant 25 : i32
    %scan3A_7 = arith.addi %scan3A_5, %scan3A_6 : i32
    %scan3A_8 = arith.constant 1 : i32
    scf.for %scan3A_21 = %scan3A_5 to %scan3A_7 step %scan3A_8  : i32 {
      %mul3A_22 = arith.constant 1 : i32
      %mul3A_23 = arith.muli %scan3A_21, %mul3A_22 : i32
      %add3A_24 = arith.constant 0 : i32
      %add3A_25 = arith.addi %add3A_24, %mul3A_23 : i32
      %mul3A_26 = arith.constant 625 : i32
      %mul3A_27 = arith.muli %arg1, %mul3A_26 : i32
      %mul3A_28 = arith.constant 25 : i32
      %mul3A_29 = arith.muli %add3A_25, %mul3A_28 : i32
      %add3A_30 = arith.addi %mul3A_27, %mul3A_29 : i32
      "tpu.region"() ({
        %run_scoped3A = tpu.sem_alloc : memref<!tpu.dma_semaphore, #tpu.memory_space<semaphore_mem>>
        %dma_start3A = arith.constant 0 : i32
        %dma_start3A_31 = arith.constant 0 : i32
        %dma_start3A_32 = tpu.memref_slice %arg13[%dma_start3A, %dma_start3A_31] : memref<40x144xf32, #tpu.memory_space<vmem>> -> memref<25x144xf32, #tpu.memory_space<vmem>>
        %dma_start3A_33 = arith.constant 0 : i32
        %dma_start3A_34 = tpu.memref_slice %arg14[%add3A_30, %dma_start3A_33] : memref<10000x144xf32, #tpu.memory_space<vmem_shared>> -> memref<25x144xf32, #tpu.memory_space<vmem_shared>>
        %dma_start3A_35 = arith.constant 0 : i32
        %dma_start3A_36 = tpu.memref_slice %arg14[%add3A_30, %dma_start3A_35] : memref<10000x144xf32, #tpu.memory_space<vmem_shared>> -> memref<25x144xf32, #tpu.memory_space<vmem_shared>>
        %dma_start3A_37 = arith.constant 0 : i32
        %dma_start3A_38 = arith.constant 0 : i32
        %dma_start3A_39 = tpu.memref_slice %arg13[%dma_start3A_37, %dma_start3A_38] : memref<40x144xf32, #tpu.memory_space<vmem>> -> memref<25x144xf32, #tpu.memory_space<vmem>>
        tpu.enqueue_dma source(%dma_start3A_39 : memref<25x144xf32, #tpu.memory_space<vmem>>) target(%dma_start3A_36 : memref<25x144xf32, #tpu.memory_space<vmem_shared>>) target_semaphore(%run_scoped3A : memref<!tpu.dma_semaphore, #tpu.memory_space<semaphore_mem>>)
        %dma_wait3A = arith.constant 0 : i32
        %dma_wait3A_40 = arith.constant 0 : i32
        %dma_wait3A_41 = tpu.memref_slice %arg13[%dma_wait3A, %dma_wait3A_40] : memref<40x144xf32, #tpu.memory_space<vmem>> -> memref<25x144xf32, #tpu.memory_space<vmem>>
        %dma_wait3A_42 = arith.constant 0 : i32
        %dma_wait3A_43 = tpu.memref_slice %arg14[%add3A_30, %dma_wait3A_42] : memref<10000x144xf32, #tpu.memory_space<vmem_shared>> -> memref<25x144xf32, #tpu.memory_space<vmem_shared>>
        %dma_wait3A_44 = arith.constant 0 : i32
        %dma_wait3A_45 = tpu.memref_slice %arg14[%add3A_30, %dma_wait3A_44] : memref<10000x144xf32, #tpu.memory_space<vmem_shared>> -> memref<25x144xf32, #tpu.memory_space<vmem_shared>>
        %dma_wait3A_46 = arith.constant 0 : i32
        %dma_wait3A_47 = arith.constant 0 : i32
        %dma_wait3A_48 = tpu.memref_slice %arg13[%dma_wait3A_46, %dma_wait3A_47] : memref<40x144xf32, #tpu.memory_space<vmem>> -> memref<25x144xf32, #tpu.memory_space<vmem>>
        tpu.wait_dma2 semaphore(%run_scoped3A : memref<!tpu.dma_semaphore, #tpu.memory_space<semaphore_mem>>) src(%dma_wait3A_48 : memref<25x144xf32, #tpu.memory_space<vmem>>) dst(%dma_wait3A_45 : memref<25x144xf32, #tpu.memory_space<vmem_shared>>)
        tpu.yield
      }) : () -> ()
    }
    %scan3A_9 = arith.constant 25 : i32
    %barrier3A = arith.constant 0 : index
    tpu.barrier barrier_id(%barrier3A)
    %scan3A_10 = arith.constant 0 : i32
    %scan3A_11 = arith.constant 250 : i32
    %scan3A_12 = arith.addi %scan3A_10, %scan3A_11 : i32
    %scan3A_13 = arith.constant 1 : i32
    scf.for %scan3A_21 = %scan3A_10 to %scan3A_12 step %scan3A_13  : i32 {
      %mul3A_22 = arith.constant 1 : i32
      %mul3A_23 = arith.muli %scan3A_21, %mul3A_22 : i32
      %add3A_24 = arith.constant 0 : i32
      %add3A_25 = arith.addi %add3A_24, %mul3A_23 : i32
      %mul3A_26 = arith.constant 10000 : i32
      %mul3A_27 = arith.muli %add3A, %mul3A_26 : i32
      %mul3A_28 = arith.constant 40 : i32
      %mul3A_29 = arith.muli %add3A_25, %mul3A_28 : i32
      %add3A_30 = arith.addi %mul3A_27, %mul3A_29 : i32
      "tpu.region"() ({
        %run_scoped3A = tpu.sem_alloc : memref<!tpu.dma_semaphore, #tpu.memory_space<semaphore_mem>>
        %dma_start3A = tpu.memref_slice %arg2[%add3A_30] : memref<320000xi32, #tpu.memory_space<hbm>> -> memref<40xi32, #tpu.memory_space<hbm>>
        %dma_start3A_36 = tpu.memref_slice %arg2[%add3A_30] : memref<320000xi32, #tpu.memory_space<hbm>> -> memref<40xi32, #tpu.memory_space<hbm>>
        tpu.enqueue_dma source(%dma_start3A_36 : memref<40xi32, #tpu.memory_space<hbm>>) target(%arg8 : memref<40xi32, #tpu.memory_space<vmem>>) target_semaphore(%run_scoped3A : memref<!tpu.dma_semaphore, #tpu.memory_space<semaphore_mem>>)
        %dma_wait3A = tpu.memref_slice %arg2[%add3A_30] : memref<320000xi32, #tpu.memory_space<hbm>> -> memref<40xi32, #tpu.memory_space<hbm>>
        %dma_wait3A_37 = tpu.memref_slice %arg2[%add3A_30] : memref<320000xi32, #tpu.memory_space<hbm>> -> memref<40xi32, #tpu.memory_space<hbm>>
        tpu.wait_dma2 semaphore(%run_scoped3A : memref<!tpu.dma_semaphore, #tpu.memory_space<semaphore_mem>>) src(%dma_wait3A_37 : memref<40xi32, #tpu.memory_space<hbm>>) dst(%arg8 : memref<40xi32, #tpu.memory_space<vmem>>)
        tpu.yield
      }) : () -> ()
      "tpu.region"() ({
        %run_scoped3A = tpu.sem_alloc : memref<!tpu.dma_semaphore, #tpu.memory_space<semaphore_mem>>
        %dma_start3A = tpu.memref_slice %arg3[%add3A_30] : memref<320000xi32, #tpu.memory_space<hbm>> -> memref<40xi32, #tpu.memory_space<hbm>>
        %dma_start3A_36 = tpu.memref_slice %arg3[%add3A_30] : memref<320000xi32, #tpu.memory_space<hbm>> -> memref<40xi32, #tpu.memory_space<hbm>>
        tpu.enqueue_dma source(%dma_start3A_36 : memref<40xi32, #tpu.memory_space<hbm>>) target(%arg9 : memref<40xi32, #tpu.memory_space<vmem>>) target_semaphore(%run_scoped3A : memref<!tpu.dma_semaphore, #tpu.memory_space<semaphore_mem>>)
        %dma_wait3A = tpu.memref_slice %arg3[%add3A_30] : memref<320000xi32, #tpu.memory_space<hbm>> -> memref<40xi32, #tpu.memory_space<hbm>>
        %dma_wait3A_37 = tpu.memref_slice %arg3[%add3A_30] : memref<320000xi32, #tpu.memory_space<hbm>> -> memref<40xi32, #tpu.memory_space<hbm>>
        tpu.wait_dma2 semaphore(%run_scoped3A : memref<!tpu.dma_semaphore, #tpu.memory_space<semaphore_mem>>) src(%dma_wait3A_37 : memref<40xi32, #tpu.memory_space<hbm>>) dst(%arg9 : memref<40xi32, #tpu.memory_space<vmem>>)
        tpu.yield
      }) : () -> ()
      "tpu.region"() ({
        %run_scoped3A = tpu.sem_alloc : memref<!tpu.dma_semaphore, #tpu.memory_space<semaphore_mem>>
        %dma_start3A = arith.constant 0 : i32
        %dma_start3A_36 = arith.constant 0 : i32
        %dma_start3A_37 = tpu.memref_slice %arg4[%dma_start3A, %dma_start3A_36] : memref<10000x128xf32, #tpu.memory_space<hbm>> -> memref<10000x128xf32, #tpu.memory_space<hbm>>
        tpu.enqueue_indirect_dma source(%dma_start3A_37 : memref<10000x128xf32, #tpu.memory_space<hbm>>) target(%arg10 : memref<40x128xf32, #tpu.memory_space<vmem>>) offsets(%arg9 : memref<40xi32, #tpu.memory_space<vmem>>) semaphore(%run_scoped3A : memref<!tpu.dma_semaphore, #tpu.memory_space<semaphore_mem>>)
        %dma_wait3A = arith.constant 0 : i32
        %dma_wait3A_38 = arith.constant 0 : i32
        %dma_wait3A_39 = tpu.memref_slice %arg4[%dma_wait3A, %dma_wait3A_38] : memref<10000x128xf32, #tpu.memory_space<hbm>> -> memref<10000x128xf32, #tpu.memory_space<hbm>>
        tpu.wait_indirect_dma semaphore(%run_scoped3A : memref<!tpu.dma_semaphore, #tpu.memory_space<semaphore_mem>>) src(%dma_wait3A_39 : memref<10000x128xf32, #tpu.memory_space<hbm>>) dst(%arg10 : memref<40x128xf32, #tpu.memory_space<vmem>>)
        tpu.yield
      }) : () -> ()
      "tpu.region"() ({
        %run_scoped3A = tpu.sem_alloc : memref<!tpu.dma_semaphore, #tpu.memory_space<semaphore_mem>>
        %dma_start3A = arith.constant 0 : i32
        %dma_start3A_36 = arith.constant 0 : i32
        %dma_start3A_37 = tpu.memref_slice %arg5[%dma_start3A, %dma_start3A_36] : memref<10000x128xf32, #tpu.memory_space<hbm>> -> memref<10000x128xf32, #tpu.memory_space<hbm>>
        tpu.enqueue_indirect_dma source(%dma_start3A_37 : memref<10000x128xf32, #tpu.memory_space<hbm>>) target(%arg11 : memref<40x128xf32, #tpu.memory_space<vmem>>) offsets(%arg8 : memref<40xi32, #tpu.memory_space<vmem>>) semaphore(%run_scoped3A : memref<!tpu.dma_semaphore, #tpu.memory_space<semaphore_mem>>)
        %dma_wait3A = arith.constant 0 : i32
        %dma_wait3A_38 = arith.constant 0 : i32
        %dma_wait3A_39 = tpu.memref_slice %arg5[%dma_wait3A, %dma_wait3A_38] : memref<10000x128xf32, #tpu.memory_space<hbm>> -> memref<10000x128xf32, #tpu.memory_space<hbm>>
        tpu.wait_indirect_dma semaphore(%run_scoped3A : memref<!tpu.dma_semaphore, #tpu.memory_space<semaphore_mem>>) src(%dma_wait3A_39 : memref<10000x128xf32, #tpu.memory_space<hbm>>) dst(%arg11 : memref<40x128xf32, #tpu.memory_space<vmem>>)
        tpu.yield
      }) : () -> ()
      "tpu.region"() ({
        %run_scoped3A = tpu.sem_alloc : memref<!tpu.dma_semaphore, #tpu.memory_space<semaphore_mem>>
        %dma_start3A = arith.constant 0 : i32
        %dma_start3A_36 = arith.constant 0 : i32
        %dma_start3A_37 = tpu.memref_slice %arg6[%dma_start3A, %dma_start3A_36] : memref<10000x128xf32, #tpu.memory_space<hbm>> -> memref<10000x128xf32, #tpu.memory_space<hbm>>
        tpu.enqueue_indirect_dma source(%dma_start3A_37 : memref<10000x128xf32, #tpu.memory_space<hbm>>) target(%arg12 : memref<40x128xf32, #tpu.memory_space<vmem>>) offsets(%arg8 : memref<40xi32, #tpu.memory_space<vmem>>) semaphore(%run_scoped3A : memref<!tpu.dma_semaphore, #tpu.memory_space<semaphore_mem>>)
        %dma_wait3A = arith.constant 0 : i32
        %dma_wait3A_38 = arith.constant 0 : i32
        %dma_wait3A_39 = tpu.memref_slice %arg6[%dma_wait3A, %dma_wait3A_38] : memref<10000x128xf32, #tpu.memory_space<hbm>> -> memref<10000x128xf32, #tpu.memory_space<hbm>>
        tpu.wait_indirect_dma semaphore(%run_scoped3A : memref<!tpu.dma_semaphore, #tpu.memory_space<semaphore_mem>>) src(%dma_wait3A_39 : memref<10000x128xf32, #tpu.memory_space<hbm>>) dst(%arg12 : memref<40x128xf32, #tpu.memory_space<vmem>>)
        tpu.yield
      }) : () -> ()
      %scan3A_31 = arith.constant 0 : i32
      %scan3A_32 = arith.constant 40 : i32
      %scan3A_33 = arith.addi %scan3A_31, %scan3A_32 : i32
      %scan3A_34 = arith.constant 1 : i32
      scf.for %scan3A_36 = %scan3A_31 to %scan3A_33 step %scan3A_34  : i32 {
        %mul3A_37 = arith.constant 1 : i32
        %mul3A_38 = arith.muli %scan3A_36, %mul3A_37 : i32
        %add3A_39 = arith.constant 0 : i32
        %add3A_40 = arith.addi %add3A_39, %mul3A_38 : i32
        %broadcast_in_dim3A = arith.constant 0.000000e+00 : f32
        %broadcast_in_dim3A_41 = vector.broadcast %broadcast_in_dim3A : f32 to vector<16xf32>
        %get3A = arith.index_cast %add3A_40 : i32 to index
        %get3A_42 = arith.constant 0 : index
        %get3A_43 = tpu.vector_load %arg10[%get3A, %get3A_42] {strides = array<i32>} : memref<40x128xf32, #tpu.memory_space<vmem>>, vector<16xf32>,
        %get3A_44 = arith.index_cast %add3A_40 : i32 to index
        %get3A_45 = arith.constant 0 : index
        %get3A_46 = tpu.vector_load %arg11[%get3A_44, %get3A_45] {strides = array<i32>} : memref<40x128xf32, #tpu.memory_space<vmem>>, vector<16xf32>,
        %mul3A_47 = arith.mulf %get3A_43, %get3A_46 : vector<16xf32>
        %get3A_48 = arith.index_cast %add3A_40 : i32 to index
        %get3A_49 = arith.constant 16 : index
        %get3A_50 = tpu.vector_load %arg10[%get3A_48, %get3A_49] {strides = array<i32>} : memref<40x128xf32, #tpu.memory_space<vmem>>, vector<16xf32>,
        %get3A_51 = arith.index_cast %add3A_40 : i32 to index
        %get3A_52 = arith.constant 16 : index
        %get3A_53 = tpu.vector_load %arg11[%get3A_51, %get3A_52] {strides = array<i32>} : memref<40x128xf32, #tpu.memory_space<vmem>>, vector<16xf32>,
        %mul3A_54 = arith.mulf %get3A_50, %get3A_53 : vector<16xf32>
        %add3A_55 = arith.addf %mul3A_47, %mul3A_54 : vector<16xf32>
        %reduce_sum3A = arith.constant true
        %reduce_sum3A_56 = vector.broadcast %reduce_sum3A : i1 to vector<16xi1>
        %reduce_sum3A_57 = tpu.scan <sum>, %add3A_55 masked %reduce_sum3A_56 : vector<16xf32>, vector<16xi1> -> vector<16xf32>
        %reduce_sum3A_58 = vector.extract %reduce_sum3A_57[15] : f32 from vector<16xf32>
        %broadcast_in_dim3A_59 = vector.broadcast %reduce_sum3A_58 : f32 to vector<16xf32>
        %exp3A = math.exp %broadcast_in_dim3A_59 : vector<16xf32>
        %get3A_60 = arith.index_cast %add3A_40 : i32 to index
        %get3A_61 = arith.constant 0 : index
        %get3A_62 = tpu.vector_load %arg12[%get3A_60, %get3A_61] {strides = array<i32>} : memref<40x128xf32, #tpu.memory_space<vmem>>, vector<16xf32>,
        %mul3A_63 = arith.mulf %get3A_62, %exp3A : vector<16xf32>
        %swap3A = arith.index_cast %add3A_40 : i32 to index
        %swap3A_64 = arith.constant 0 : index
        %swap3A_65 = tpu.vector_load %arg13[%swap3A, %swap3A_64] {strides = array<i32>} : memref<40x144xf32, #tpu.memory_space<vmem>>, vector<16xf32>,
        tpu.vector_store %arg13[%swap3A, %swap3A_64], %mul3A_63 {strides = array<i32>} : memref<40x144xf32, #tpu.memory_space<vmem>>, vector<16xf32>,
        %get3A_66 = arith.index_cast %add3A_40 : i32 to index
        %get3A_67 = arith.constant 16 : index
        %get3A_68 = tpu.vector_load %arg12[%get3A_66, %get3A_67] {strides = array<i32>} : memref<40x128xf32, #tpu.memory_space<vmem>>, vector<16xf32>,
        %mul3A_69 = arith.mulf %get3A_68, %exp3A : vector<16xf32>
        %swap3A_70 = arith.index_cast %add3A_40 : i32 to index
        %swap3A_71 = arith.constant 16 : index
        %swap3A_72 = tpu.vector_load %arg13[%swap3A_70, %swap3A_71] {strides = array<i32>} : memref<40x144xf32, #tpu.memory_space<vmem>>, vector<16xf32>,
        tpu.vector_store %arg13[%swap3A_70, %swap3A_71], %mul3A_69 {strides = array<i32>} : memref<40x144xf32, #tpu.memory_space<vmem>>, vector<16xf32>,
        %iota3A = tpu.iota {dimensions = array<i32: 0>} : vector<16xi32>
        %eq3A = arith.constant 0 : i32
        %eq3A_73 = vector.broadcast %eq3A : i32 to vector<16xi32>
        %eq3A_74 = arith.cmpi eq, %iota3A, %eq3A_73 : vector<16xi32>
        %select_n3A = arith.select %eq3A_74, %exp3A, %broadcast_in_dim3A_41 : vector<16xi1>, vector<16xf32>
        %get3A_75 = arith.index_cast %add3A_40 : i32 to index
        %get3A_76 = arith.constant 32 : index
        %get3A_77 = tpu.vector_load %arg10[%get3A_75, %get3A_76] {strides = array<i32>} : memref<40x128xf32, #tpu.memory_space<vmem>>, vector<16xf32>,
        %get3A_78 = arith.index_cast %add3A_40 : i32 to index
        %get3A_79 = arith.constant 32 : index
        %get3A_80 = tpu.vector_load %arg11[%get3A_78, %get3A_79] {strides = array<i32>} : memref<40x128xf32, #tpu.memory_space<vmem>>, vector<16xf32>,
        %mul3A_81 = arith.mulf %get3A_77, %get3A_80 : vector<16xf32>
        %get3A_82 = arith.index_cast %add3A_40 : i32 to index
        %get3A_83 = arith.constant 48 : index
        %get3A_84 = tpu.vector_load %arg10[%get3A_82, %get3A_83] {strides = array<i32>} : memref<40x128xf32, #tpu.memory_space<vmem>>, vector<16xf32>,
        %get3A_85 = arith.index_cast %add3A_40 : i32 to index
        %get3A_86 = arith.constant 48 : index
        %get3A_87 = tpu.vector_load %arg11[%get3A_85, %get3A_86] {strides = array<i32>} : memref<40x128xf32, #tpu.memory_space<vmem>>, vector<16xf32>,
        %mul3A_88 = arith.mulf %get3A_84, %get3A_87 : vector<16xf32>
        %add3A_89 = arith.addf %mul3A_81, %mul3A_88 : vector<16xf32>
        %reduce_sum3A_90 = arith.constant true
        %reduce_sum3A_91 = vector.broadcast %reduce_sum3A_90 : i1 to vector<16xi1>
        %reduce_sum3A_92 = tpu.scan <sum>, %add3A_89 masked %reduce_sum3A_91 : vector<16xf32>, vector<16xi1> -> vector<16xf32>
        %reduce_sum3A_93 = vector.extract %reduce_sum3A_92[15] : f32 from vector<16xf32>
        %broadcast_in_dim3A_94 = vector.broadcast %reduce_sum3A_93 : f32 to vector<16xf32>
        %exp3A_95 = math.exp %broadcast_in_dim3A_94 : vector<16xf32>
        %get3A_96 = arith.index_cast %add3A_40 : i32 to index
        %get3A_97 = arith.constant 32 : index
        %get3A_98 = tpu.vector_load %arg12[%get3A_96, %get3A_97] {strides = array<i32>} : memref<40x128xf32, #tpu.memory_space<vmem>>, vector<16xf32>,
        %mul3A_99 = arith.mulf %get3A_98, %exp3A_95 : vector<16xf32>
        %swap3A_100 = arith.index_cast %add3A_40 : i32 to index
        %swap3A_101 = arith.constant 32 : index
        %swap3A_102 = tpu.vector_load %arg13[%swap3A_100, %swap3A_101] {strides = array<i32>} : memref<40x144xf32, #tpu.memory_space<vmem>>, vector<16xf32>,
        tpu.vector_store %arg13[%swap3A_100, %swap3A_101], %mul3A_99 {strides = array<i32>} : memref<40x144xf32, #tpu.memory_space<vmem>>, vector<16xf32>,
        %get3A_103 = arith.index_cast %add3A_40 : i32 to index
        %get3A_104 = arith.constant 48 : index
        %get3A_105 = tpu.vector_load %arg12[%get3A_103, %get3A_104] {strides = array<i32>} : memref<40x128xf32, #tpu.memory_space<vmem>>, vector<16xf32>,
        %mul3A_106 = arith.mulf %get3A_105, %exp3A_95 : vector<16xf32>
        %swap3A_107 = arith.index_cast %add3A_40 : i32 to index
        %swap3A_108 = arith.constant 48 : index
        %swap3A_109 = tpu.vector_load %arg13[%swap3A_107, %swap3A_108] {strides = array<i32>} : memref<40x144xf32, #tpu.memory_space<vmem>>, vector<16xf32>,
        tpu.vector_store %arg13[%swap3A_107, %swap3A_108], %mul3A_106 {strides = array<i32>} : memref<40x144xf32, #tpu.memory_space<vmem>>, vector<16xf32>,
        %iota3A_110 = tpu.iota {dimensions = array<i32: 0>} : vector<16xi32>
        %eq3A_111 = arith.constant 1 : i32
        %eq3A_112 = vector.broadcast %eq3A_111 : i32 to vector<16xi32>
        %eq3A_113 = arith.cmpi eq, %iota3A_110, %eq3A_112 : vector<16xi32>
        %select_n3A_114 = arith.select %eq3A_113, %exp3A_95, %select_n3A : vector<16xi1>, vector<16xf32>
        %get3A_115 = arith.index_cast %add3A_40 : i32 to index
        %get3A_116 = arith.constant 64 : index
        %get3A_117 = tpu.vector_load %arg10[%get3A_115, %get3A_116] {strides = array<i32>} : memref<40x128xf32, #tpu.memory_space<vmem>>, vector<16xf32>,
        %get3A_118 = arith.index_cast %add3A_40 : i32 to index
        %get3A_119 = arith.constant 64 : index
        %get3A_120 = tpu.vector_load %arg11[%get3A_118, %get3A_119] {strides = array<i32>} : memref<40x128xf32, #tpu.memory_space<vmem>>, vector<16xf32>,
        %mul3A_121 = arith.mulf %get3A_117, %get3A_120 : vector<16xf32>
        %get3A_122 = arith.index_cast %add3A_40 : i32 to index
        %get3A_123 = arith.constant 80 : index
        %get3A_124 = tpu.vector_load %arg10[%get3A_122, %get3A_123] {strides = array<i32>} : memref<40x128xf32, #tpu.memory_space<vmem>>, vector<16xf32>,
        %get3A_125 = arith.index_cast %add3A_40 : i32 to index
        %get3A_126 = arith.constant 80 : index
        %get3A_127 = tpu.vector_load %arg11[%get3A_125, %get3A_126] {strides = array<i32>} : memref<40x128xf32, #tpu.memory_space<vmem>>, vector<16xf32>,
        %mul3A_128 = arith.mulf %get3A_124, %get3A_127 : vector<16xf32>
        %add3A_129 = arith.addf %mul3A_121, %mul3A_128 : vector<16xf32>
        %reduce_sum3A_130 = arith.constant true
        %reduce_sum3A_131 = vector.broadcast %reduce_sum3A_130 : i1 to vector<16xi1>
        %reduce_sum3A_132 = tpu.scan <sum>, %add3A_129 masked %reduce_sum3A_131 : vector<16xf32>, vector<16xi1> -> vector<16xf32>
        %reduce_sum3A_133 = vector.extract %reduce_sum3A_132[15] : f32 from vector<16xf32>
        %broadcast_in_dim3A_134 = vector.broadcast %reduce_sum3A_133 : f32 to vector<16xf32>
        %exp3A_135 = math.exp %broadcast_in_dim3A_134 : vector<16xf32>
        %get3A_136 = arith.index_cast %add3A_40 : i32 to index
        %get3A_137 = arith.constant 64 : index
        %get3A_138 = tpu.vector_load %arg12[%get3A_136, %get3A_137] {strides = array<i32>} : memref<40x128xf32, #tpu.memory_space<vmem>>, vector<16xf32>,
        %mul3A_139 = arith.mulf %get3A_138, %exp3A_135 : vector<16xf32>
        %swap3A_140 = arith.index_cast %add3A_40 : i32 to index
        %swap3A_141 = arith.constant 64 : index
        %swap3A_142 = tpu.vector_load %arg13[%swap3A_140, %swap3A_141] {strides = array<i32>} : memref<40x144xf32, #tpu.memory_space<vmem>>, vector<16xf32>,
        tpu.vector_store %arg13[%swap3A_140, %swap3A_141], %mul3A_139 {strides = array<i32>} : memref<40x144xf32, #tpu.memory_space<vmem>>, vector<16xf32>,
        %get3A_143 = arith.index_cast %add3A_40 : i32 to index
        %get3A_144 = arith.constant 80 : index
        %get3A_145 = tpu.vector_load %arg12[%get3A_143, %get3A_144] {strides = array<i32>} : memref<40x128xf32, #tpu.memory_space<vmem>>, vector<16xf32>,
        %mul3A_146 = arith.mulf %get3A_145, %exp3A_135 : vector<16xf32>
        %swap3A_147 = arith.index_cast %add3A_40 : i32 to index
        %swap3A_148 = arith.constant 80 : index
        %swap3A_149 = tpu.vector_load %arg13[%swap3A_147, %swap3A_148] {strides = array<i32>} : memref<40x144xf32, #tpu.memory_space<vmem>>, vector<16xf32>,
        tpu.vector_store %arg13[%swap3A_147, %swap3A_148], %mul3A_146 {strides = array<i32>} : memref<40x144xf32, #tpu.memory_space<vmem>>, vector<16xf32>,
        %iota3A_150 = tpu.iota {dimensions = array<i32: 0>} : vector<16xi32>
        %eq3A_151 = arith.constant 2 : i32
        %eq3A_152 = vector.broadcast %eq3A_151 : i32 to vector<16xi32>
        %eq3A_153 = arith.cmpi eq, %iota3A_150, %eq3A_152 : vector<16xi32>
        %select_n3A_154 = arith.select %eq3A_153, %exp3A_135, %select_n3A_114 : vector<16xi1>, vector<16xf32>
        %get3A_155 = arith.index_cast %add3A_40 : i32 to index
        %get3A_156 = arith.constant 96 : index
        %get3A_157 = tpu.vector_load %arg10[%get3A_155, %get3A_156] {strides = array<i32>} : memref<40x128xf32, #tpu.memory_space<vmem>>, vector<16xf32>,
        %get3A_158 = arith.index_cast %add3A_40 : i32 to index
        %get3A_159 = arith.constant 96 : index
        %get3A_160 = tpu.vector_load %arg11[%get3A_158, %get3A_159] {strides = array<i32>} : memref<40x128xf32, #tpu.memory_space<vmem>>, vector<16xf32>,
        %mul3A_161 = arith.mulf %get3A_157, %get3A_160 : vector<16xf32>
        %get3A_162 = arith.index_cast %add3A_40 : i32 to index
        %get3A_163 = arith.constant 112 : index
        %get3A_164 = tpu.vector_load %arg10[%get3A_162, %get3A_163] {strides = array<i32>} : memref<40x128xf32, #tpu.memory_space<vmem>>, vector<16xf32>,
        %get3A_165 = arith.index_cast %add3A_40 : i32 to index
        %get3A_166 = arith.constant 112 : index
        %get3A_167 = tpu.vector_load %arg11[%get3A_165, %get3A_166] {strides = array<i32>} : memref<40x128xf32, #tpu.memory_space<vmem>>, vector<16xf32>,
        %mul3A_168 = arith.mulf %get3A_164, %get3A_167 : vector<16xf32>
        %add3A_169 = arith.addf %mul3A_161, %mul3A_168 : vector<16xf32>
        %reduce_sum3A_170 = arith.constant true
        %reduce_sum3A_171 = vector.broadcast %reduce_sum3A_170 : i1 to vector<16xi1>
        %reduce_sum3A_172 = tpu.scan <sum>, %add3A_169 masked %reduce_sum3A_171 : vector<16xf32>, vector<16xi1> -> vector<16xf32>
        %reduce_sum3A_173 = vector.extract %reduce_sum3A_172[15] : f32 from vector<16xf32>
        %broadcast_in_dim3A_174 = vector.broadcast %reduce_sum3A_173 : f32 to vector<16xf32>
        %exp3A_175 = math.exp %broadcast_in_dim3A_174 : vector<16xf32>
        %get3A_176 = arith.index_cast %add3A_40 : i32 to index
        %get3A_177 = arith.constant 96 : index
        %get3A_178 = tpu.vector_load %arg12[%get3A_176, %get3A_177] {strides = array<i32>} : memref<40x128xf32, #tpu.memory_space<vmem>>, vector<16xf32>,
        %mul3A_179 = arith.mulf %get3A_178, %exp3A_175 : vector<16xf32>
        %swap3A_180 = arith.index_cast %add3A_40 : i32 to index
        %swap3A_181 = arith.constant 96 : index
        %swap3A_182 = tpu.vector_load %arg13[%swap3A_180, %swap3A_181] {strides = array<i32>} : memref<40x144xf32, #tpu.memory_space<vmem>>, vector<16xf32>,
        tpu.vector_store %arg13[%swap3A_180, %swap3A_181], %mul3A_179 {strides = array<i32>} : memref<40x144xf32, #tpu.memory_space<vmem>>, vector<16xf32>,
        %get3A_183 = arith.index_cast %add3A_40 : i32 to index
        %get3A_184 = arith.constant 112 : index
        %get3A_185 = tpu.vector_load %arg12[%get3A_183, %get3A_184] {strides = array<i32>} : memref<40x128xf32, #tpu.memory_space<vmem>>, vector<16xf32>,
        %mul3A_186 = arith.mulf %get3A_185, %exp3A_175 : vector<16xf32>
        %swap3A_187 = arith.index_cast %add3A_40 : i32 to index
        %swap3A_188 = arith.constant 112 : index
        %swap3A_189 = tpu.vector_load %arg13[%swap3A_187, %swap3A_188] {strides = array<i32>} : memref<40x144xf32, #tpu.memory_space<vmem>>, vector<16xf32>,
        tpu.vector_store %arg13[%swap3A_187, %swap3A_188], %mul3A_186 {strides = array<i32>} : memref<40x144xf32, #tpu.memory_space<vmem>>, vector<16xf32>,
        %iota3A_190 = tpu.iota {dimensions = array<i32: 0>} : vector<16xi32>
        %eq3A_191 = arith.constant 3 : i32
        %eq3A_192 = vector.broadcast %eq3A_191 : i32 to vector<16xi32>
        %eq3A_193 = arith.cmpi eq, %iota3A_190, %eq3A_192 : vector<16xi32>
        %select_n3A_194 = arith.select %eq3A_193, %exp3A_175, %select_n3A_154 : vector<16xi1>, vector<16xf32>
        %swap3A_195 = arith.index_cast %add3A_40 : i32 to index
        %swap3A_196 = arith.constant 128 : index
        %swap3A_197 = tpu.vector_load %arg13[%swap3A_195, %swap3A_196] {strides = array<i32>} : memref<40x144xf32, #tpu.memory_space<vmem>>, vector<16xf32>,
        tpu.vector_store %arg13[%swap3A_195, %swap3A_196], %select_n3A_194 {strides = array<i32>} : memref<40x144xf32, #tpu.memory_space<vmem>>, vector<16xf32>,
      }
      %scan3A_35 = arith.constant 40 : i32
      "tpu.region"() ({
        %run_scoped3A = tpu.sem_alloc : memref<!tpu.dma_semaphore, #tpu.memory_space<semaphore_mem>>
        %dma_start3A = arith.constant 0 : i32
        %dma_start3A_36 = arith.constant 0 : i32
        %dma_start3A_37 = tpu.memref_slice %arg14[%dma_start3A, %dma_start3A_36] : memref<10000x144xf32, #tpu.memory_space<vmem_shared>> -> memref<10000x144xf32, #tpu.memory_space<vmem_shared>>
        tpu.enqueue_indirect_dma source(%arg13 : memref<40x144xf32, #tpu.memory_space<vmem>>) target(%dma_start3A_37 : memref<10000x144xf32, #tpu.memory_space<vmem_shared>>) offsets(%arg9 : memref<40xi32, #tpu.memory_space<vmem>>) semaphore(%run_scoped3A : memref<!tpu.dma_semaphore, #tpu.memory_space<semaphore_mem>>) {add = true}
        %dma_wait3A = arith.constant 0 : i32
        %dma_wait3A_38 = arith.constant 0 : i32
        %dma_wait3A_39 = tpu.memref_slice %arg14[%dma_wait3A, %dma_wait3A_38] : memref<10000x144xf32, #tpu.memory_space<vmem_shared>> -> memref<10000x144xf32, #tpu.memory_space<vmem_shared>>
        tpu.wait_indirect_dma semaphore(%run_scoped3A : memref<!tpu.dma_semaphore, #tpu.memory_space<semaphore_mem>>) src(%arg13 : memref<40x144xf32, #tpu.memory_space<vmem>>) dst(%dma_wait3A_39 : memref<10000x144xf32, #tpu.memory_space<vmem_shared>>)
        tpu.yield
      }) : () -> ()
    }
    %scan3A_14 = arith.constant 250 : i32
    %barrier3A_15 = arith.constant 0 : index
    tpu.barrier barrier_id(%barrier3A_15)
    %scan3A_16 = arith.constant 0 : i32
    %scan3A_17 = arith.constant 25 : i32
    %scan3A_18 = arith.addi %scan3A_16, %scan3A_17 : i32
    %scan3A_19 = arith.constant 1 : i32
    scf.for %scan3A_21 = %scan3A_16 to %scan3A_18 step %scan3A_19  : i32 {
      %mul3A_22 = arith.constant 1 : i32
      %mul3A_23 = arith.muli %scan3A_21, %mul3A_22 : i32
      %add3A_24 = arith.constant 0 : i32
      %add3A_25 = arith.addi %add3A_24, %mul3A_23 : i32
      %mul3A_26 = arith.constant 625 : i32
      %mul3A_27 = arith.muli %arg1, %mul3A_26 : i32
      %mul3A_28 = arith.constant 25 : i32
      %mul3A_29 = arith.muli %add3A_25, %mul3A_28 : i32
      %add3A_30 = arith.addi %mul3A_27, %mul3A_29 : i32
      "tpu.region"() ({
        %run_scoped3A = tpu.sem_alloc : memref<!tpu.dma_semaphore, #tpu.memory_space<semaphore_mem>>
        %dma_start3A = arith.constant 0 : i32
        %dma_start3A_36 = arith.constant 0 : i32
        %dma_start3A_37 = tpu.memref_slice %arg13[%dma_start3A, %dma_start3A_36] : memref<40x144xf32, #tpu.memory_space<vmem>> -> memref<25x144xf32, #tpu.memory_space<vmem>>
        %dma_start3A_38 = arith.constant 0 : i32
        %dma_start3A_39 = tpu.memref_slice %arg14[%add3A_30, %dma_start3A_38] : memref<10000x144xf32, #tpu.memory_space<vmem_shared>> -> memref<25x144xf32, #tpu.memory_space<vmem_shared>>
        %dma_start3A_40 = arith.constant 0 : i32
        %dma_start3A_41 = arith.constant 0 : i32
        %dma_start3A_42 = tpu.memref_slice %arg13[%dma_start3A_40, %dma_start3A_41] : memref<40x144xf32, #tpu.memory_space<vmem>> -> memref<25x144xf32, #tpu.memory_space<vmem>>
        %dma_start3A_43 = arith.constant 0 : i32
        %dma_start3A_44 = tpu.memref_slice %arg14[%add3A_30, %dma_start3A_43] : memref<10000x144xf32, #tpu.memory_space<vmem_shared>> -> memref<25x144xf32, #tpu.memory_space<vmem_shared>>
        tpu.enqueue_dma source(%dma_start3A_44 : memref<25x144xf32, #tpu.memory_space<vmem_shared>>) target(%dma_start3A_42 : memref<25x144xf32, #tpu.memory_space<vmem>>) target_semaphore(%run_scoped3A : memref<!tpu.dma_semaphore, #tpu.memory_space<semaphore_mem>>)
        %dma_wait3A = arith.constant 0 : i32
        %dma_wait3A_45 = arith.constant 0 : i32
        %dma_wait3A_46 = tpu.memref_slice %arg13[%dma_wait3A, %dma_wait3A_45] : memref<40x144xf32, #tpu.memory_space<vmem>> -> memref<25x144xf32, #tpu.memory_space<vmem>>
        %dma_wait3A_47 = arith.constant 0 : i32
        %dma_wait3A_48 = tpu.memref_slice %arg14[%add3A_30, %dma_wait3A_47] : memref<10000x144xf32, #tpu.memory_space<vmem_shared>> -> memref<25x144xf32, #tpu.memory_space<vmem_shared>>
        %dma_wait3A_49 = arith.constant 0 : i32
        %dma_wait3A_50 = arith.constant 0 : i32
        %dma_wait3A_51 = tpu.memref_slice %arg13[%dma_wait3A_49, %dma_wait3A_50] : memref<40x144xf32, #tpu.memory_space<vmem>> -> memref<25x144xf32, #tpu.memory_space<vmem>>
        %dma_wait3A_52 = arith.constant 0 : i32
        %dma_wait3A_53 = tpu.memref_slice %arg14[%add3A_30, %dma_wait3A_52] : memref<10000x144xf32, #tpu.memory_space<vmem_shared>> -> memref<25x144xf32, #tpu.memory_space<vmem_shared>>
        tpu.wait_dma2 semaphore(%run_scoped3A : memref<!tpu.dma_semaphore, #tpu.memory_space<semaphore_mem>>) src(%dma_wait3A_53 : memref<25x144xf32, #tpu.memory_space<vmem_shared>>) dst(%dma_wait3A_51 : memref<25x144xf32, #tpu.memory_space<vmem>>)
        tpu.yield
      }) : () -> ()
      %mul3A_31 = arith.constant 625 : i32
      %mul3A_32 = arith.muli %arg1, %mul3A_31 : i32
      %mul3A_33 = arith.constant 25 : i32
      %mul3A_34 = arith.muli %add3A_25, %mul3A_33 : i32
      %add3A_35 = arith.addi %mul3A_32, %mul3A_34 : i32
      "tpu.region"() ({
        %run_scoped3A = tpu.sem_alloc : memref<!tpu.dma_semaphore, #tpu.memory_space<semaphore_mem>>
        %dma_start3A = arith.constant 0 : i32
        %dma_start3A_36 = arith.constant 0 : i32
        %dma_start3A_37 = tpu.memref_slice %arg13[%dma_start3A, %dma_start3A_36] : memref<40x144xf32, #tpu.memory_space<vmem>> -> memref<25x144xf32, #tpu.memory_space<vmem>>
        %dma_start3A_38 = arith.constant 0 : i32
        %dma_start3A_39 = tpu.memref_slice %arg7[%arg0, %add3A_35, %dma_start3A_38] : memref<2x10000x144xf32, #tpu.memory_space<hbm>> -> memref<1x25x144xf32, #tpu.memory_space<hbm>>
        %dma_start3A_40 = tpu.memref_squeeze %dma_start3A_39 : memref<1x25x144xf32, #tpu.memory_space<hbm>> -> memref<25x144xf32, #tpu.memory_space<hbm>>
        %dma_start3A_41 = arith.constant 0 : i32
        %dma_start3A_42 = tpu.memref_slice %arg7[%arg0, %add3A_35, %dma_start3A_41] : memref<2x10000x144xf32, #tpu.memory_space<hbm>> -> memref<1x25x144xf32, #tpu.memory_space<hbm>>
        %dma_start3A_43 = tpu.memref_squeeze %dma_start3A_42 : memref<1x25x144xf32, #tpu.memory_space<hbm>> -> memref<25x144xf32, #tpu.memory_space<hbm>>
        %dma_start3A_44 = arith.constant 0 : i32
        %dma_start3A_45 = arith.constant 0 : i32
        %dma_start3A_46 = tpu.memref_slice %arg13[%dma_start3A_44, %dma_start3A_45] : memref<40x144xf32, #tpu.memory_space<vmem>> -> memref<25x144xf32, #tpu.memory_space<vmem>>
        tpu.enqueue_dma source(%dma_start3A_46 : memref<25x144xf32, #tpu.memory_space<vmem>>) target(%dma_start3A_43 : memref<25x144xf32, #tpu.memory_space<hbm>>) target_semaphore(%run_scoped3A : memref<!tpu.dma_semaphore, #tpu.memory_space<semaphore_mem>>)
        %dma_wait3A = arith.constant 0 : i32
        %dma_wait3A_47 = arith.constant 0 : i32
        %dma_wait3A_48 = tpu.memref_slice %arg13[%dma_wait3A, %dma_wait3A_47] : memref<40x144xf32, #tpu.memory_space<vmem>> -> memref<25x144xf32, #tpu.memory_space<vmem>>
        %dma_wait3A_49 = arith.constant 0 : i32
        %dma_wait3A_50 = tpu.memref_slice %arg7[%arg0, %add3A_35, %dma_wait3A_49] : memref<2x10000x144xf32, #tpu.memory_space<hbm>> -> memref<1x25x144xf32, #tpu.memory_space<hbm>>
        %dma_wait3A_51 = tpu.memref_squeeze %dma_wait3A_50 : memref<1x25x144xf32, #tpu.memory_space<hbm>> -> memref<25x144xf32, #tpu.memory_space<hbm>>
        %dma_wait3A_52 = arith.constant 0 : i32
        %dma_wait3A_53 = tpu.memref_slice %arg7[%arg0, %add3A_35, %dma_wait3A_52] : memref<2x10000x144xf32, #tpu.memory_space<hbm>> -> memref<1x25x144xf32, #tpu.memory_space<hbm>>
        %dma_wait3A_54 = tpu.memref_squeeze %dma_wait3A_53 : memref<1x25x144xf32, #tpu.memory_space<hbm>> -> memref<25x144xf32, #tpu.memory_space<hbm>>
        %dma_wait3A_55 = arith.constant 0 : i32
        %dma_wait3A_56 = arith.constant 0 : i32
        %dma_wait3A_57 = tpu.memref_slice %arg13[%dma_wait3A_55, %dma_wait3A_56] : memref<40x144xf32, #tpu.memory_space<vmem>> -> memref<25x144xf32, #tpu.memory_space<vmem>>
        tpu.wait_dma2 semaphore(%run_scoped3A : memref<!tpu.dma_semaphore, #tpu.memory_space<semaphore_mem>>) src(%dma_wait3A_57 : memref<25x144xf32, #tpu.memory_space<vmem>>) dst(%dma_wait3A_54 : memref<25x144xf32, #tpu.memory_space<hbm>>)
        tpu.yield
      }) : () -> ()
    }
    %scan3A_20 = arith.constant 25 : i32
    return
  }
}

module attributes {stable_mosaic.version = 14 : i64} {
  func.func @_proj_body(%arg0: i32, %arg1: memref<1000x128xf32, #tpu.memory_space<vmem>>, %arg2: memref<128x128xf32, #tpu.memory_space<vmem>>, %arg3: memref<128xf32, #tpu.memory_space<vmem>>, %arg4: memref<128x128xf32, #tpu.memory_space<vmem>>, %arg5: memref<128xf32, #tpu.memory_space<vmem>>, %arg6: memref<128x128xf32, #tpu.memory_space<vmem>>, %arg7: memref<128xf32, #tpu.memory_space<vmem>>, %arg8: memref<1000x128xf32, #tpu.memory_space<vmem>>, %arg9: memref<1000x128xf32, #tpu.memory_space<vmem>>, %arg10: memref<1000x128xf32, #tpu.memory_space<vmem>>) attributes {dimension_semantics = [#tpu.dimension_semantics<arbitrary>], iteration_bounds = array<i64: 10>, scalar_prefetch = 0 : i64, scratch_operands = 0 : i64, tpu.core_type = #tpu.core_type<tc>, window_params = [{transform_indices = @transform_0, window_bounds = array<i64: 1000, 128>}, {pipeline_mode = #tpu.pipeline_mode<synchronous>, transform_indices = @transform_1, window_bounds = array<i64: 128, 128>}, {pipeline_mode = #tpu.pipeline_mode<synchronous>, transform_indices = @transform_2, window_bounds = array<i64: 128>}, {pipeline_mode = #tpu.pipeline_mode<synchronous>, transform_indices = @transform_3, window_bounds = array<i64: 128, 128>}, {pipeline_mode = #tpu.pipeline_mode<synchronous>, transform_indices = @transform_4, window_bounds = array<i64: 128>}, {pipeline_mode = #tpu.pipeline_mode<synchronous>, transform_indices = @transform_5, window_bounds = array<i64: 128, 128>}, {pipeline_mode = #tpu.pipeline_mode<synchronous>, transform_indices = @transform_6, window_bounds = array<i64: 128>}, {transform_indices = @transform_7, window_bounds = array<i64: 1000, 128>}, {transform_indices = @transform_8, window_bounds = array<i64: 1000, 128>}, {transform_indices = @transform_9, window_bounds = array<i64: 1000, 128>}]} {
    %get3A = arith.constant 0 : index
    %get3A_0 = arith.constant 0 : index
    %get3A_1 = vector.load %arg1[%get3A, %get3A_0] : memref<1000x128xf32, #tpu.memory_space<vmem>>, vector<1000x128xf32>
    %get3A_2 = arith.constant 0 : index
    %get3A_3 = arith.constant 0 : index
    %get3A_4 = vector.load %arg2[%get3A_2, %get3A_3] : memref<128x128xf32, #tpu.memory_space<vmem>>, vector<128x128xf32>
    %dot_general3A = arith.constant dense<0.000000e+00> : vector<1000x128xf32>
    %dot_general3A_5 = tpu.matmul %get3A_1, %get3A_4, %dot_general3A {dimension_numbers = #tpu.dot_dimension_numbers<[1], [0], [0], [1], [0, 0, 1, 1], [], []>, transpose_lhs_hint = false} : vector<1000x128xf32>, vector<128x128xf32>, vector<1000x128xf32> -> vector<1000x128xf32>
    %get3A_6 = arith.constant 0 : index
    %get3A_7 = vector.load %arg3[%get3A_6] : memref<128xf32, #tpu.memory_space<vmem>>, vector<128xf32>
    %broadcast_in_dim3A = vector.shape_cast %get3A_7 : vector<128xf32> to vector<1x128xf32>
    %add3A = vector.broadcast %broadcast_in_dim3A : vector<1x128xf32> to vector<1000x128xf32>
    %add3A_8 = arith.addf %dot_general3A_5, %add3A : vector<1000x128xf32>
    %sqrt3A = arith.constant 3.200000e+01 : f32
    %sqrt3A_9 = math.sqrt %sqrt3A : f32
    %div3A = arith.constant 1.000000e+00 : f32
    %div3A_10 = arith.divf %div3A, %sqrt3A_9 : f32
    %mul3A = vector.broadcast %div3A_10 : f32 to vector<1000x128xf32>
    %mul3A_11 = arith.mulf %add3A_8, %mul3A : vector<1000x128xf32>
    %swap3A = arith.constant 0 : index
    %swap3A_12 = arith.constant 0 : index
    %swap3A_13 = vector.load %arg8[%swap3A, %swap3A_12] : memref<1000x128xf32, #tpu.memory_space<vmem>>, vector<1000x128xf32>
    tpu.vector_store %arg8[%swap3A, %swap3A_12], %mul3A_11 {strides = array<i32>} : memref<1000x128xf32, #tpu.memory_space<vmem>>, vector<1000x128xf32>,
    %get3A_14 = arith.constant 0 : index
    %get3A_15 = arith.constant 0 : index
    %get3A_16 = vector.load %arg4[%get3A_14, %get3A_15] : memref<128x128xf32, #tpu.memory_space<vmem>>, vector<128x128xf32>
    %dot_general3A_17 = arith.constant dense<0.000000e+00> : vector<1000x128xf32>
    %dot_general3A_18 = tpu.matmul %get3A_1, %get3A_16, %dot_general3A_17 {dimension_numbers = #tpu.dot_dimension_numbers<[1], [0], [0], [1], [0, 0, 1, 1], [], []>, transpose_lhs_hint = false} : vector<1000x128xf32>, vector<128x128xf32>, vector<1000x128xf32> -> vector<1000x128xf32>
    %get3A_19 = arith.constant 0 : index
    %get3A_20 = vector.load %arg5[%get3A_19] : memref<128xf32, #tpu.memory_space<vmem>>, vector<128xf32>
    %broadcast_in_dim3A_21 = vector.shape_cast %get3A_20 : vector<128xf32> to vector<1x128xf32>
    %add3A_22 = vector.broadcast %broadcast_in_dim3A_21 : vector<1x128xf32> to vector<1000x128xf32>
    %add3A_23 = arith.addf %dot_general3A_18, %add3A_22 : vector<1000x128xf32>
    %swap3A_24 = arith.constant 0 : index
    %swap3A_25 = arith.constant 0 : index
    %swap3A_26 = vector.load %arg9[%swap3A_24, %swap3A_25] : memref<1000x128xf32, #tpu.memory_space<vmem>>, vector<1000x128xf32>
    tpu.vector_store %arg9[%swap3A_24, %swap3A_25], %add3A_23 {strides = array<i32>} : memref<1000x128xf32, #tpu.memory_space<vmem>>, vector<1000x128xf32>,
    %get3A_27 = arith.constant 0 : index
    %get3A_28 = arith.constant 0 : index
    %get3A_29 = vector.load %arg6[%get3A_27, %get3A_28] : memref<128x128xf32, #tpu.memory_space<vmem>>, vector<128x128xf32>
    %dot_general3A_30 = arith.constant dense<0.000000e+00> : vector<1000x128xf32>
    %dot_general3A_31 = tpu.matmul %get3A_1, %get3A_29, %dot_general3A_30 {dimension_numbers = #tpu.dot_dimension_numbers<[1], [0], [0], [1], [0, 0, 1, 1], [], []>, transpose_lhs_hint = false} : vector<1000x128xf32>, vector<128x128xf32>, vector<1000x128xf32> -> vector<1000x128xf32>
    %get3A_32 = arith.constant 0 : index
    %get3A_33 = vector.load %arg7[%get3A_32] : memref<128xf32, #tpu.memory_space<vmem>>, vector<128xf32>
    %broadcast_in_dim3A_34 = vector.shape_cast %get3A_33 : vector<128xf32> to vector<1x128xf32>
    %add3A_35 = vector.broadcast %broadcast_in_dim3A_34 : vector<1x128xf32> to vector<1000x128xf32>
    %add3A_36 = arith.addf %dot_general3A_31, %add3A_35 : vector<1000x128xf32>
    %swap3A_37 = arith.constant 0 : index
    %swap3A_38 = arith.constant 0 : index
    %swap3A_39 = vector.load %arg10[%swap3A_37, %swap3A_38] : memref<1000x128xf32, #tpu.memory_space<vmem>>, vector<1000x128xf32>
    tpu.vector_store %arg10[%swap3A_37, %swap3A_38], %add3A_36 {strides = array<i32>} : memref<1000x128xf32, #tpu.memory_space<vmem>>, vector<1000x128xf32>,
    return
  }
  func.func @transform_0(%arg0: i32) -> (i32, i32) {
    %c0_i32 = arith.constant 0 : i32
    %c0_i32_0 = arith.constant 0 : i32
    return %arg0, %c0_i32 : i32, i32
  }
  func.func @transform_1(%arg0: i32) -> (i32, i32) {
    %c0_i32 = arith.constant 0 : i32
    %c0_i32_0 = arith.constant 0 : i32
    %c0_i32_1 = arith.constant 0 : i32
    return %c0_i32, %c0_i32_0 : i32, i32
  }
  func.func @transform_2(%arg0: i32) -> i32 {
    %c0_i32 = arith.constant 0 : i32
    %c0_i32_0 = arith.constant 0 : i32
    return %c0_i32 : i32
  }
  func.func @transform_3(%arg0: i32) -> (i32, i32) {
    %c0_i32 = arith.constant 0 : i32
    %c0_i32_0 = arith.constant 0 : i32
    %c0_i32_1 = arith.constant 0 : i32
    return %c0_i32, %c0_i32_0 : i32, i32
  }
  func.func @transform_4(%arg0: i32) -> i32 {
    %c0_i32 = arith.constant 0 : i32
    %c0_i32_0 = arith.constant 0 : i32
    return %c0_i32 : i32
  }
  func.func @transform_5(%arg0: i32) -> (i32, i32) {
    %c0_i32 = arith.constant 0 : i32
    %c0_i32_0 = arith.constant 0 : i32
    %c0_i32_1 = arith.constant 0 : i32
    return %c0_i32, %c0_i32_0 : i32, i32
  }
  func.func @transform_6(%arg0: i32) -> i32 {
    %c0_i32 = arith.constant 0 : i32
    %c0_i32_0 = arith.constant 0 : i32
    return %c0_i32 : i32
  }
  func.func @transform_7(%arg0: i32) -> (i32, i32) {
    %c0_i32 = arith.constant 0 : i32
    %c0_i32_0 = arith.constant 0 : i32
    return %arg0, %c0_i32 : i32, i32
  }
  func.func @transform_8(%arg0: i32) -> (i32, i32) {
    %c0_i32 = arith.constant 0 : i32
    %c0_i32_0 = arith.constant 0 : i32
    return %arg0, %c0_i32 : i32, i32
  }
  func.func @transform_9(%arg0: i32) -> (i32, i32) {
    %c0_i32 = arith.constant 0 : i32
    %c0_i32_0 = arith.constant 0 : i32
    return %arg0, %c0_i32 : i32, i32
  }
}

module attributes {stable_mosaic.version = 14 : i64} {
  func.func @_out_body(%arg0: i32, %arg1: memref<2x1000x144xf32, #tpu.memory_space<vmem>>, %arg2: memref<1000x128xf32, #tpu.memory_space<vmem>>, %arg3: memref<128x128xf32, #tpu.memory_space<vmem>>, %arg4: memref<128xf32, #tpu.memory_space<vmem>>, %arg5: memref<144x128xf32, #tpu.memory_space<vmem>>, %arg6: memref<128xf32, #tpu.memory_space<vmem>>, %arg7: memref<128xf32, #tpu.memory_space<vmem>>, %arg8: memref<1000x128xf32, #tpu.memory_space<vmem>>) attributes {dimension_semantics = [#tpu.dimension_semantics<arbitrary>], iteration_bounds = array<i64: 10>, scalar_prefetch = 0 : i64, scratch_operands = 0 : i64, tpu.core_type = #tpu.core_type<tc>, window_params = [{transform_indices = @transform_0, window_bounds = array<i64: 2, 1000, 144>}, {transform_indices = @transform_1, window_bounds = array<i64: 1000, 128>}, {pipeline_mode = #tpu.pipeline_mode<synchronous>, transform_indices = @transform_2, window_bounds = array<i64: 128, 128>}, {pipeline_mode = #tpu.pipeline_mode<synchronous>, transform_indices = @transform_3, window_bounds = array<i64: 128>}, {pipeline_mode = #tpu.pipeline_mode<synchronous>, transform_indices = @transform_4, window_bounds = array<i64: 144, 128>}, {pipeline_mode = #tpu.pipeline_mode<synchronous>, transform_indices = @transform_5, window_bounds = array<i64: 128>}, {pipeline_mode = #tpu.pipeline_mode<synchronous>, transform_indices = @transform_6, window_bounds = array<i64: 128>}, {transform_indices = @transform_7, window_bounds = array<i64: 1000, 128>}]} {
    %get3A = arith.constant 0 : index
    %get3A_0 = arith.constant 0 : index
    %get3A_1 = arith.constant 0 : index
    %get3A_2 = vector.load %arg1[%get3A, %get3A_0, %get3A_1] : memref<2x1000x144xf32, #tpu.memory_space<vmem>>, vector<1x1000x144xf32>
    %get3A_3 = vector.shape_cast %get3A_2 : vector<1x1000x144xf32> to vector<1000x144xf32>
    %get3A_4 = arith.constant 1 : index
    %get3A_5 = arith.constant 0 : index
    %get3A_6 = arith.constant 0 : index
    %get3A_7 = vector.load %arg1[%get3A_4, %get3A_5, %get3A_6] : memref<2x1000x144xf32, #tpu.memory_space<vmem>>, vector<1x1000x144xf32>
    %get3A_8 = vector.shape_cast %get3A_7 : vector<1x1000x144xf32> to vector<1000x144xf32>
    %add3A = arith.addf %get3A_3, %get3A_8 : vector<1000x144xf32>
    %get3A_9 = arith.constant 0 : index
    %get3A_10 = arith.constant 0 : index
    %get3A_11 = vector.load %arg5[%get3A_9, %get3A_10] : memref<144x128xf32, #tpu.memory_space<vmem>>, vector<144x128xf32>
    %dot_general3A = arith.constant dense<0.000000e+00> : vector<1000x128xf32>
    %dot_general3A_12 = tpu.matmul %add3A, %get3A_11, %dot_general3A {dimension_numbers = #tpu.dot_dimension_numbers<[1], [0], [0], [1], [0, 0, 1, 1], [], []>, transpose_lhs_hint = false} : vector<1000x144xf32>, vector<144x128xf32>, vector<1000x128xf32> -> vector<1000x128xf32>
    %slice3A = vector.extract_strided_slice %add3A {offsets = [0, 0], sizes = [1000, 128], strides = [1, 1]} : vector<1000x144xf32> to vector<1000x128xf32>
    %get3A_13 = arith.constant 0 : index
    %get3A_14 = arith.constant 0 : index
    %get3A_15 = vector.load %arg2[%get3A_13, %get3A_14] : memref<1000x128xf32, #tpu.memory_space<vmem>>, vector<1000x128xf32>
    %get3A_16 = arith.constant 0 : index
    %get3A_17 = arith.constant 0 : index
    %get3A_18 = vector.load %arg3[%get3A_16, %get3A_17] : memref<128x128xf32, #tpu.memory_space<vmem>>, vector<128x128xf32>
    %dot_general3A_19 = arith.constant dense<0.000000e+00> : vector<1000x128xf32>
    %dot_general3A_20 = tpu.matmul %get3A_15, %get3A_18, %dot_general3A_19 {dimension_numbers = #tpu.dot_dimension_numbers<[1], [0], [0], [1], [0, 0, 1, 1], [], []>, transpose_lhs_hint = false} : vector<1000x128xf32>, vector<128x128xf32>, vector<1000x128xf32> -> vector<1000x128xf32>
    %get3A_21 = arith.constant 0 : index
    %get3A_22 = vector.load %arg4[%get3A_21] : memref<128xf32, #tpu.memory_space<vmem>>, vector<128xf32>
    %broadcast_in_dim3A = vector.shape_cast %get3A_22 : vector<128xf32> to vector<1x128xf32>
    %add3A_23 = vector.broadcast %broadcast_in_dim3A : vector<1x128xf32> to vector<1000x128xf32>
    %add3A_24 = arith.addf %dot_general3A_20, %add3A_23 : vector<1000x128xf32>
    %add3A_25 = arith.constant 1.000000e-16 : f32
    %add3A_26 = vector.broadcast %add3A_25 : f32 to vector<1000x128xf32>
    %add3A_27 = arith.addf %dot_general3A_12, %add3A_26 : vector<1000x128xf32>
    %div3A = arith.divf %slice3A, %add3A_27 : vector<1000x128xf32>
    %add3A_28 = arith.addf %div3A, %add3A_24 : vector<1000x128xf32>
    %mul3A = arith.constant 5.000000e-01 : f32
    %mul3A_29 = vector.broadcast %mul3A : f32 to vector<1000x128xf32>
    %mul3A_30 = arith.mulf %add3A_28, %mul3A_29 : vector<1000x128xf32>
    %sqrt3A = arith.constant 2.000000e+00 : f32
    %sqrt3A_31 = math.sqrt %sqrt3A : f32
    %div3A_32 = arith.constant 1.000000e+00 : f32
    %div3A_33 = arith.divf %div3A_32, %sqrt3A_31 : f32
    %mul3A_34 = vector.broadcast %div3A_33 : f32 to vector<1000x128xf32>
    %mul3A_35 = arith.mulf %add3A_28, %mul3A_34 : vector<1000x128xf32>
    %erf3A = math.erf %mul3A_35 : vector<1000x128xf32>
    %add3A_36 = arith.constant 1.000000e+00 : f32
    %add3A_37 = vector.broadcast %add3A_36 : f32 to vector<1000x128xf32>
    %add3A_38 = arith.addf %add3A_37, %erf3A : vector<1000x128xf32>
    %mul3A_39 = arith.mulf %mul3A_30, %add3A_38 : vector<1000x128xf32>
    %reduce_sum3A = arith.constant dense<0.000000e+00> : vector<1000xf32>
    %reduce_sum3A_40 = vector.multi_reduction <add>, %mul3A_39, %reduce_sum3A [1] : vector<1000x128xf32> to vector<1000xf32>
    %broadcast_in_dim3A_41 = vector.shape_cast %reduce_sum3A_40 : vector<1000xf32> to vector<1000x1xf32>
    %div3A_42 = arith.constant 1.280000e+02 : f32
    %div3A_43 = vector.broadcast %div3A_42 : f32 to vector<1000x1xf32>
    %div3A_44 = arith.divf %broadcast_in_dim3A_41, %div3A_43 : vector<1000x1xf32>
    %sub3A = vector.broadcast %div3A_44 : vector<1000x1xf32> to vector<1000x128xf32>
    %sub3A_45 = arith.subf %mul3A_39, %sub3A : vector<1000x128xf32>
    %sub3A_46 = vector.broadcast %div3A_44 : vector<1000x1xf32> to vector<1000x128xf32>
    %sub3A_47 = arith.subf %mul3A_39, %sub3A_46 : vector<1000x128xf32>
    %mul3A_48 = arith.mulf %sub3A_45, %sub3A_47 : vector<1000x128xf32>
    %reduce_sum3A_49 = arith.constant dense<0.000000e+00> : vector<1000xf32>
    %reduce_sum3A_50 = vector.multi_reduction <add>, %mul3A_48, %reduce_sum3A_49 [1] : vector<1000x128xf32> to vector<1000xf32>
    %broadcast_in_dim3A_51 = vector.shape_cast %reduce_sum3A_50 : vector<1000xf32> to vector<1000x1xf32>
    %div3A_52 = arith.constant 1.280000e+02 : f32
    %div3A_53 = vector.broadcast %div3A_52 : f32 to vector<1000x1xf32>
    %div3A_54 = arith.divf %broadcast_in_dim3A_51, %div3A_53 : vector<1000x1xf32>
    %sub3A_55 = vector.broadcast %div3A_44 : vector<1000x1xf32> to vector<1000x128xf32>
    %sub3A_56 = arith.subf %mul3A_39, %sub3A_55 : vector<1000x128xf32>
    %add3A_57 = arith.constant 9.99999974E-6 : f32
    %add3A_58 = vector.broadcast %add3A_57 : f32 to vector<1000x1xf32>
    %add3A_59 = arith.addf %div3A_54, %add3A_58 : vector<1000x1xf32>
    %sqrt3A_60 = math.sqrt %add3A_59 : vector<1000x1xf32>
    %div3A_61 = vector.broadcast %sqrt3A_60 : vector<1000x1xf32> to vector<1000x128xf32>
    %div3A_62 = arith.divf %sub3A_56, %div3A_61 : vector<1000x128xf32>
    %get3A_63 = arith.constant 0 : index
    %get3A_64 = vector.load %arg6[%get3A_63] : memref<128xf32, #tpu.memory_space<vmem>>, vector<128xf32>
    %broadcast_in_dim3A_65 = vector.shape_cast %get3A_64 : vector<128xf32> to vector<1x128xf32>
    %mul3A_66 = vector.broadcast %broadcast_in_dim3A_65 : vector<1x128xf32> to vector<1000x128xf32>
    %mul3A_67 = arith.mulf %div3A_62, %mul3A_66 : vector<1000x128xf32>
    %get3A_68 = arith.constant 0 : index
    %get3A_69 = vector.load %arg7[%get3A_68] : memref<128xf32, #tpu.memory_space<vmem>>, vector<128xf32>
    %broadcast_in_dim3A_70 = vector.shape_cast %get3A_69 : vector<128xf32> to vector<1x128xf32>
    %add3A_71 = vector.broadcast %broadcast_in_dim3A_70 : vector<1x128xf32> to vector<1000x128xf32>
    %add3A_72 = arith.addf %mul3A_67, %add3A_71 : vector<1000x128xf32>
    %swap3A = arith.constant 0 : index
    %swap3A_73 = arith.constant 0 : index
    %swap3A_74 = vector.load %arg8[%swap3A, %swap3A_73] : memref<1000x128xf32, #tpu.memory_space<vmem>>, vector<1000x128xf32>
    tpu.vector_store %arg8[%swap3A, %swap3A_73], %add3A_72 {strides = array<i32>} : memref<1000x128xf32, #tpu.memory_space<vmem>>, vector<1000x128xf32>,
    return
  }
  func.func @transform_0(%arg0: i32) -> (i32, i32, i32) {
    %c0_i32 = arith.constant 0 : i32
    %c0_i32_0 = arith.constant 0 : i32
    %c0_i32_1 = arith.constant 0 : i32
    return %c0_i32, %arg0, %c0_i32_0 : i32, i32, i32
  }
  func.func @transform_1(%arg0: i32) -> (i32, i32) {
    %c0_i32 = arith.constant 0 : i32
    %c0_i32_0 = arith.constant 0 : i32
    return %arg0, %c0_i32 : i32, i32
  }
  func.func @transform_2(%arg0: i32) -> (i32, i32) {
    %c0_i32 = arith.constant 0 : i32
    %c0_i32_0 = arith.constant 0 : i32
    %c0_i32_1 = arith.constant 0 : i32
    return %c0_i32, %c0_i32_0 : i32, i32
  }
  func.func @transform_3(%arg0: i32) -> i32 {
    %c0_i32 = arith.constant 0 : i32
    %c0_i32_0 = arith.constant 0 : i32
    return %c0_i32 : i32
  }
  func.func @transform_4(%arg0: i32) -> (i32, i32) {
    %c0_i32 = arith.constant 0 : i32
    %c0_i32_0 = arith.constant 0 : i32
    %c0_i32_1 = arith.constant 0 : i32
    return %c0_i32, %c0_i32_0 : i32, i32
  }
  func.func @transform_5(%arg0: i32) -> i32 {
    %c0_i32 = arith.constant 0 : i32
    %c0_i32_0 = arith.constant 0 : i32
    return %c0_i32 : i32
  }
  func.func @transform_6(%arg0: i32) -> i32 {
    %c0_i32 = arith.constant 0 : i32
    %c0_i32_0 = arith.constant 0 : i32
    return %c0_i32 : i32
  }
  func.func @transform_7(%arg0: i32) -> (i32, i32) {
    %c0_i32 = arith.constant 0 : i32
    %c0_i32_0 = arith.constant 0 : i32
    return %arg0, %c0_i32 : i32, i32
  }
}

</mosaic_0001>

<sc_bundles>
// kernel: kernel.5.cloned.1.call-start
scs
__scs_entry_jumppad:
0x0: {  	(pc) =	sbr.rel $0x88, $3  }
0x1: {  	(tag) =	ssettag $0x0;
	lr =	simm.s32 $0x1  }
0x2: {  	[smem:$0x3F95] =	sst lr;
	_ =	strace $0xD0000000  }
0x3: {  	_ = 	snop  }
0x4: {  	_ = 	snop  }
0x5: {  	_ = 	snop  }
0x6: {  	_ = 	snop  }
0x7: {  	_ = 	snop  }
__scs_overlays_trampoline_lowered:
0x8: {  	[smem:$0x3FA4] =	sst s0  }
0x9: {  	[smem:$0x3FA5] =	sst s1  }
0xa: {  	[smem:$0x3FA6] =	sst s2  }
0xb: {  	[smem:$0x3FA7] =	sst s3  }
0xc: {  	[smem:$0x3FA8] =	sst s4  }
0xd: {  	[smem:$0x3FA9] =	sst s5  }
0xe: {  	[smem:$0x3FAA] =	sst s6  }
0xf: {  	[smem:$0x3FAB] =	sst s7  }
0x10: {  	[smem:$0x3FAC] =	sst s8  }
0x11: {  	[smem:$0x3FAD] =	sst s9;
	s0 =	simm.s32 @!p0 $0x0  }
0x12: {  	s1 =	sld [smem:$0x3F93];
	s0 =	simm.s32 @p0 $0x1  }
0x13: {  	[smem:$0x3FAE] =	sst s0;
	s0 =	simm.s32 @!p1 $0x0  }
0x14: {  	s2 =	sld [smem:$0x3F92];
	s0 =	simm.s32 @p1 $0x1  }
0x15: {  	[smem:$0x3FAF] =	sst s0;
	s0 =	simm.s32 @!p2 $0x0  }
0x16: {  	s3 =	sld [smem:$0x3FDB];
	s0 =	simm.s32 @p2 $0x1  }
0x17: {  	s4 =	simm.s32 $0x1BF5;
	[smem:$0x3FB1] =	sst s0  }
0x18: {  	s0 =	sld [smem:$0x3F94];
	_ =	swait.ge [sflag:s4], $0x0  }
0x19: {  	s7 =	sld [smem:$0x3F95]  }
0x1a: {  	s8 =	sadd.s32 $0xFFFFE003, lr  }
0x1b: {  	s9 =	sadd.s32 $0xFFFFFEF7, lr;
	s5 =	simm.s32 $0xFFFFFFFF;
	p2 =	slt.u32 s8, $0xFFFFF086  }
0x1c: {  	p1 =	slt.u32 s9, $0xF7A;
	s5 =	simm.s32 @!p2 $0x0  }
0x1d: {  	s5 =	simm.s32 @p1 $0x1;
	p0 =	seq.s32 s7, s2  }
0x1e: {  	s7 =	smul.u32 @!p0 $0xF7A, s2;
	p2 =	seq.s32 @!p0 s5, $0x0  }
0x1f: {  	s9 =	smul.u32 $0xF7A, s1;
	s8 =	simm.s32 @!p0 $0x1BF5;
	p2 =	por !p2, p0  }
0x20: {  	[sflag:s8] =	ssyncset.s32 @!p0 $0xFFFFF086;
	s6 =	sadd.s32 @!p0 s3, s7;
	s7 =	simm.s32 @!p0 $0x108  }
0x21: {  	s3 =	sadd.s32 s3, s9;
	s6 =	sadd.s32 @!p0 $0x88, s6;
	s7 =	simm.s32 @p2 $0x1082  }
0x22: {  	[simem:s7], [sflag:s8] =	dma.local @!p0 [hbm:s6], $0xF7A  }
0x23: {  	s9 =	sor.u32 $0xD0000000, s2;
	s6 =	simm.s32 $0x108;
	_ =	swait.ge @!p0 [sflag:s8], $0x0  }
0x24: {  	s3 =	sadd.s32 $0x88, s3;
	s6 =	simm.s32 @!p1 $0x1082;
	[sflag:s4] =	ssyncset.s32 $0xFFFFF086  }
0x25: {  	[simem:s6], [sflag:s4] =	dma.local [hbm:s3], $0xF7A  }
0x26: {  	[smem:$0x3F95] =	sst s1;
	(tag) =	ssettag s2;
	_ =	strace s9  }
0x27: {  	s1 =	sld [smem:$0x3FA5]  }
0x28: {  	s2 =	sld [smem:$0x3FA6]  }
0x29: {  	s4 =	sld [smem:$0x3FA8]  }
0x2a: {  	p0 =	seq.s32 s5, $0x0;
	s5 =	sld [smem:$0x3FA9]  }
0x2b: {  	s6 =	sld [smem:$0x3FAA]  }
0x2c: {  	s7 =	sld [smem:$0x3FAB]  }
0x2d: {  	s3 =	simm.s32 $0x108;
	s8 =	sld [smem:$0x3FAC]  }
0x2e: {  	s3 =	simm.s32 @!p0 $0x1082;
	s9 =	sld [smem:$0x3FAD]  }
0x2f: {  	lr =	sadd.s32 s0, s3;
	s0 =	sld [smem:$0x3FA4]  }
0x30: {  	s3 =	sld [smem:$0x3FA7]  }
0x31: {  	[smem:$0x3FB0] =	sst s10  }
0x32: {  	s10 =	sld [smem:$0x3FAE];
	_ =	sdelay $0x3  }
0x33: {  	p0 =	seq.s32 s10, $0x1;
	s10 =	sld [smem:$0x3FB0];
	_ =	sdelay $0x3  }
0x34: {  	[smem:$0x3FB0] =	sst s10  }
0x35: {  	s10 =	sld [smem:$0x3FAF];
	_ =	sdelay $0x3  }
0x36: {  	p1 =	seq.s32 s10, $0x1;
	s10 =	sld [smem:$0x3FB0];
	_ =	sdelay $0x3  }
0x37: {  	[smem:$0x3FB0] =	sst s10  }
0x38: {  	s10 =	sld [smem:$0x3FB1]  }
0x39: {  	_ = 	snop;
	(pc) =	sbr.ind lr, $3  }
0x3a: {  	_ = 	snop  }
0x3b: {  	_ = 	snop  }
0x3c: {  	p2 =	seq.s32 s10, $0x1;
	s10 =	sld [smem:$0x3FB0]  }
0x3d: {  	_ =	shalt  }
0x3e: {  	_ =	shalt  }
0x3f: {  	_ =	shalt  }
0x40: {  	_ =	shalt  }
0x41: {  	_ =	shalt  }
0x42: {  	_ =	shalt  }
0x43: {  	_ =	shalt  }
0x44: {  	_ =	shalt  }
0x45: {  	_ =	shalt  }
0x46: {  	_ =	shalt  }
0x47: {  	_ =	shalt  }
0x48: {  	_ =	shalt  }
0x49: {  	_ =	shalt  }
0x4a: {  	_ =	shalt  }
0x4b: {  	_ =	shalt  }
0x4c: {  	_ =	shalt  }
0x4d: {  	_ =	shalt  }
0x4e: {  	_ =	shalt  }
0x4f: {  	_ =	shalt  }
0x50: {  	_ =	shalt  }
0x51: {  	_ =	shalt  }
0x52: {  	_ =	shalt  }
0x53: {  	_ =	shalt  }
0x54: {  	_ =	shalt  }
0x55: {  	_ =	shalt  }
0x56: {  	_ =	shalt  }
0x57: {  	_ =	shalt  }
0x58: {  	_ =	shalt  }
0x59: {  	_ =	shalt  }
0x5a: {  	_ =	shalt  }
0x5b: {  	_ =	shalt  }
0x5c: {  	_ =	shalt  }
0x5d: {  	_ =	shalt  }
0x5e: {  	_ =	shalt  }
0x5f: {  	_ =	shalt  }
0x60: {  	_ =	shalt  }
0x61: {  	_ =	shalt  }
0x62: {  	_ =	shalt  }
0x63: {  	_ =	shalt  }
0x64: {  	_ =	shalt  }
0x65: {  	_ =	shalt  }
0x66: {  	_ =	shalt  }
0x67: {  	_ =	shalt  }
0x68: {  	_ =	shalt  }
0x69: {  	_ =	shalt  }
0x6a: {  	_ =	shalt  }
0x6b: {  	_ =	shalt  }
0x6c: {  	_ =	shalt  }
0x6d: {  	_ =	shalt  }
0x6e: {  	_ =	shalt  }
0x6f: {  	_ =	shalt  }
0x70: {  	_ =	shalt  }
0x71: {  	_ =	shalt  }
0x72: {  	_ =	shalt  }
0x73: {  	_ =	shalt  }
0x74: {  	_ =	shalt  }
0x75: {  	_ =	shalt  }
0x76: {  	_ =	shalt  }
0x77: {  	_ =	shalt  }
0x78: {  	_ =	shalt  }
0x79: {  	_ =	shalt  }
0x7a: {  	_ =	shalt  }
0x7b: {  	_ =	shalt  }
0x7c: {  	_ =	shalt  }
0x7d: {  	_ =	shalt  }
0x7e: {  	_ =	shalt  }
0x7f: {  	_ =	shalt  }
0x80: {  	_ =	shalt  }
0x81: {  	_ =	shalt  }
0x82: {  	_ =	shalt  }
0x83: {  	_ =	shalt  }
0x84: {  	_ =	shalt  }
0x85: {  	_ =	shalt  }
0x86: {  	_ =	shalt  }
0x87: {  	_ =	shalt  }
.Lfunc_end0:
.L_simem_size_0:
called_computation_lowered:
.L_overlay_start_0:
0x88: {  	s2 =	sld [smem:$0x3FD9]  }
0x89: {  	s3 =	sld [smem:$0x3FFE];
	_ =	sdelay $0x1  }
0x8a: {  	s1 =	srdreg.scid  }
0x8b: {  	s0 =	sand.u32 $0x1, s1  }
0x8c: {  	s17 =	sshll.u32 s0, $0xA;
	s2 =	sadd.s32 s3, s2  }
0x8d: {  	s2 =	sadd.s32 s2, s17  }
0x8e: {  	[smem:$0x3FBC] =	sst s2  }
0x8f: {  	_ = 	snop  }
0x90: {  	s2 =	sld [smem:$0x3FD0];
	(tm) =	ssettm $0x1  }
0x91: {  	s18 =	sld [smem:$0x3FFB];
	_ =	sdelay $0x3  }
0x92: {  	_ =	strace s18  }
0x93: {  	s3 =	sld [smem:$0x3FFC];
	_ =	sdelay $0x3  }
0x94: {  	_ =	strace s3  }
0x95: {  	s3 =	sld [smem:$0x3FFD];
	_ =	sdelay $0x3  }
0x96: {  	_ =	strace s3  }
0x97: {  	_ =	strace $0x8FFFFFFF  }
0x98: {  	s19 =	sld [smem:$0x3FDB];
	_ =	sdelay $0x1  }
0x99: {  	s4 =	simm.s32 $_scs_section_size  }
0x9a: {  	s5 =	simm.s32 $_size__tile_overlayer_lowered;
	s6 =	simm.s32 $_tile_overlayer_lowered  }
0x9b: {  	s22 =	simm.s32 $0x1BFF;
	s21 =	sshll.u32 s6, $0x1;
	s3 =	sadd.s32 s4, s19  }
0x9c: {  	s7 =	simm.s32 $0x0;
	s20 =	sshll.u32 s5, $0x1;
	s5 =	sadd.s32 s21, s3  }
0x9d: {  	[timem:s7], [sflag:s22] =	dma.local [hbm:s5], s20  }
0x9e: {  	_ =	swait.ge [sflag:s22], s20  }
0x9f: {  	s4 =	ssub.s32 $0x0, s20;
	[sflag:s22] =	ssyncset.done $0x0  }
0xa0: {  	[sflag:s22] =	ssyncadd.s32 s4;
	_ =	sdelay $0x1  }
0xa1: {  	s23 =	simm.s32 $0x1B8B  }
0xa2: {  	_ =	swait.ge [sflag:s23], $0x1  }
0xa3: {  	[sflag:s23] =	ssyncset.done $0x0  }
0xa4: {  	s25 =	simm.s32 $0x1B8E;
	s24 =	sld [smem:$0x3FFE];
	[sflag:s23] =	ssyncadd.s32 $0xFFFFFFFF  }
0xa5: {  	s26 =	simm.s32 $execute0_lowered;
	[smem:$0x3FD2] =	sst s25  }
0xa6: {  	s5 =	sshll.u32 s26, $0x1;
	_ =	strace $0x80000046;
	[dreg:$0x1] =	wrdreg $0xFFFFFFFF  }
0xa7: {  	s28 =	simm.s32 $_size_execute0_lowered;
	s3 =	sadd.s32 s3, s5;
	[dreg:$0x0] =	wrdreg $0x0  }
0xa8: {  	s5 =	sshll.u32 s28, $0x1;
	[dreg:$0x2] =	wrdreg s3  }
0xa9: {  	[dreg:$0x3] =	wrdreg s5  }
0xaa: {  	[dreg:$0x4] =	wrdreg $0xC0  }
0xab: {  	_ =	task [dreg:s7], $0x5FFFF  }
0xac: {  	[dreg:$0x1] =	wrdreg $0xFFFFFFFF  }
0xad: {  	[dreg:$0x0] =	wrdreg $0x60  }
0xae: {  	[dreg:$0x2] =	wrdreg s24  }
0xaf: {  	[dreg:$0x3] =	wrdreg s2  }
0xb0: {  	[dreg:$0x4] =	wrdreg $0x52D00  }
0xb1: {  	[dreg:$0x5] =	wrdreg $0x9  }
0xb2: {  	_ =	task.clear_ibuf [dreg:s7], $0x6FFFF;
	_ =	strace $0x90000046  }
0xb3: {  	s29 =	simm.s32 $0x9;
	_ =	strace $0x80000048  }
0xb4: {  	_ =	swait.ge [sflag:s29], $0x1  }
0xb5: {  	[sflag:s29] =	ssyncadd.s32 $0xFFFFFFFF  }
0xb6: {  	_ =	strace $0x90000048  }
0xb7: {  	_ =	sfence  }
0xb8: {  	s30 =	sld [smem:$0x0];
	_ =	sdelay $0x2  }
0xb9: {  	s31 =	sshll.u32 s1, $0xD;
	s1 =	sshrl.u32 s1, $0x2  }
0xba: {  	s3 =	sand.u32 $0x4000, s31;
	s1 =	sadd.s32 s1, s30  }
0xbb: {  	s0 =	sor.u32 s3, s0;
	s1 =	sshll.u32 s1, $0x11  }
0xbc: {  	s0 =	sor.u32 s1, s0  }
0xbd: {  	s0 =	sadd.s32 $0x8F2B, s0  }
0xbe: {  	[sflag:s0] =	ssyncadd.remote.s32 $0x1  }
0xbf: {  	_ =	sfence.sel $0xFFFF  }
0xc0: {  	[dreg:$0x0] =	wrdreg $0xFFFFFFFF;
	(pc) =	sbr.abs _section_cstart, $3  }
0xc1: {  	[dreg:$0x1] =	wrdreg $0xFFFFFFFF  }
0xc2: {  	_ =	task.clear_ibuf [dreg:s7], $0x2FFFF;
	_ =	strace $0x9FFFFFFF  }
0xc3: {  	(tm) =	ssettm $0x7FFFFFFF  }
tec
execute0_lowered:
.L_overlay_start_1:
0x0: {  	(tag) =	ssettag $0x1  }
0x1: {  	s9 =	rddreg [dreg:$0x0]  }
0x2: {  	s1 =	rddreg [dreg:$0x1]  }
0x3: {  	s2 =	rddreg [dreg:$0x2];
	s3 =	srdreg.scid  }
0x4: {  	s0 =	rddreg [dreg:$0x3];
	s4 =	simm.s32 $0x0;
	s17 =	simm.s32 $0x1450  }
0x5: {  	s18 =	simm.s32 $0x2850;
	s19 =	simm.s32 $0x0;
	s10 =	sand.u32 $0x1, s3  }
0x6: {  	s3 =	stileid.u32;
	[smem:$0x7FF] =	sst s4;
	s5 =	sadd.s32 $0xBA00, s9  }
0x7: {  	s6 =	sadd.s32 $0x1C00, s9;
	s7 =	sadd.s32 $0x15800, s9;
	s8 =	smul.u32 $0x15F900, s10  }
0x8: {  	s11 =	smul.u32 $0x15F90, s3;
	_ =	strace $0x80000047;
	s12 =	ssub.s32 $0x2, s10  }
0x9: {  	s14 =	sshll.u32 s3, $0x1;
	s15 =	smul.u32 $0x57E40, s3;
	s13 =	sshrl.u32 s12, $0x1  }
0xa: {  	s30 =	sor.u32 s10, s14;
	s14 =	simm.s32 $0x1;
	s11 =	sadd.s32 s11, s8  }
0xb: {  	s8 =	sadd.s32 $0x3CA00, s9;
	s29 =	ssub.s32 s12, s13;
	s31 =	sshrl.u32 s15, $0x2  }
0xc: {  	s13 =	simm.s32 $0x3C50;
	s15 =	simm.s32 $0x28;
	s11 =	sshrl.u32 s11, $0x3  }
0xd: {  	v0 =	vimm.f32 $0.0e+00;
	vm0 =	vmmov $0x1;
	s10 =	smax.u32 s29, $0x1;
	s16 =	sadd.s32 s11, s9;
	s9 =	smul.u32 $0x2710, s30  }
0xe: {  	vm1 =	vcmask $0x310;
	vm2 =	vcmask $0x710;
	vm3 =	vcmask $0xB10;
	s11 =	sadd.s32 s31, s2;
	s12 =	sadd.s32 $0x63C00, s16;
	s16 =	simm.s32 $0x50  }
.LBB2_1:
0xf: {  	s20 =	simm.s32 $0x0;
	s21 =	simm.s32 $0x240  }
.LBB2_2:
0x10: {  	p0 =	sne.s32 s21, $0x57C0;
	[tilespmem:s20+$0x3CD0] =	vst v0  }
0x11: {  	[tilespmem:s20+$0x3C50] =	vst v0  }
0x12: {  	[tilespmem:s20+$0x3C60] =	vst v0  }
0x13: {  	[tilespmem:s20+$0x3C70] =	vst v0  }
.Ltmp0:
0x14: {  	[tilespmem:s20+$0x3C80] =	vst v0;
	(pc) =	sbr.rel @p0 .LBB2_2-.Ltmp0, $4  }
0x15: {  	[tilespmem:s20+$0x3C90] =	vst v0  }
0x16: {  	[tilespmem:s20+$0x3CA0] =	vst v0  }
0x17: {  	[tilespmem:s20+$0x3CB0] =	vst v0  }
0x18: {  	[tilespmem:s20+$0x3CC0] =	vst v0;
	s20 =	sshra.s32 s21, $0x2;
	s21 =	sadd.s32 $0x240, s21  }
0x19: {  	[tilespmem:s20+$0x3CD0] =	vst v0  }
0x1a: {  	[tilespmem:s20+$0x3C50] =	vst v0  }
0x1b: {  	[tilespmem:s20+$0x3C60] =	vst v0  }
0x1c: {  	[tilespmem:s20+$0x3C70] =	vst v0  }
0x1d: {  	[tilespmem:s20+$0x3C80] =	vst v0  }
0x1e: {  	[tilespmem:s20+$0x3C90] =	vst v0  }
0x1f: {  	[tilespmem:s20+$0x3CA0] =	vst v0  }
0x20: {  	[tilespmem:s20+$0x3CB0] =	vst v0  }
0x21: {  	[tilespmem:s20+$0x3CC0] =	vst v0;
	s31 =	sadd.s32 $0x0, s11  }
0x22: {  	[spmem:s31] =	stream.linear.scatter [tilespmem:s13], [sflag:$0x1], $0xE10, $0x38;
	[tilespmem:$0x1B260] =	vst v63  }
0x23: {  	s20 =	simm.s32 $0x3840;
	_ =	swait.ge [sflag:s14], $0xE10  }
.LBB2_4:
0x24: {  	s21 =	sshra.s32 s20, $0x2;
	[sflag:s14] =	ssyncset.done $0x0;
	p0 =	sne.s32 s20, $0x54600  }
.Ltmp1:
0x25: {  	s21 =	sadd.s32 s21, s11;
	[sflag:s14] =	ssyncadd.s32 $0xFFFFF1F0;
	(pc) =	sbr.rel @p0 .LBB2_4-.Ltmp1, $3  }
0x26: {  	[spmem:s21] =	stream.linear.scatter [tilespmem:s13], [sflag:$0x1], $0xE10, $0x38;
	[tilespmem:$0x1B260] =	vst v63  }
0x27: {  	s20 =	sadd.s32 $0x3840, s20;
	_ =	sdelay $0x1  }
0x28: {  	_ =	swait.ge [sflag:s14], $0xE10  }
0x29: {  	[sflag:s14] =	ssyncset.done $0x0  }
0x2a: {  	[sflag:s14] =	ssyncadd.s32 $0xFFFFF1F0  }
0x2b: {  	s20 =	simm.s32 $0x0;
	s21 =	simm.s32 $0x0;
	[bflag:$0x0] =	sbarrier.arrive $0xFFFF  }
.LBB2_6:
0x2c: {  	s22 =	smul.u32 $0x28, s21;
	_ =	sdelay $0x1  }
0x2d: {  	s22 =	sadd.s32 s9, s22  }
0x2e: {  	s22 =	sshrl.u32 s22, $0x3  }
0x2f: {  	s23 =	sadd.s32 s5, s22  }
0x30: {  	[tilespmem:s20], [sflag:$0x1] =	stream.linear.gather [hbm4b:s23+s20], $0x28, $0x38;
	[tilespmem:$0x1B260] =	vst v63  }
0x31: {  	_ =	swait.ge [sflag:s14], $0x28  }
0x32: {  	[sflag:s14] =	ssyncset.done $0x0  }
0x33: {  	s22 =	sadd.s32 s6, s22;
	[sflag:s14] =	ssyncadd.s32 $0xFFFFFFD8  }
0x34: {  	[tilespmem:s15], [sflag:$0x1] =	stream.linear.gather [hbm4b:s22+s20], $0x28, $0x38;
	[tilespmem:$0x1B260] =	vst v63  }
0x35: {  	_ =	swait.ge [sflag:s14], $0x28  }
0x36: {  	[sflag:s14] =	ssyncset.done $0x0  }
0x37: {  	[sflag:s14] =	ssyncadd.s32 $0xFFFFFFD8  }
0x38: {  	[tilespmem:s16], [sflag:$0x1] =	stream.indirect.gather [hbm4b:s1+s15], $0x80, s15, s15, $0xb8;
	[tilespmem:$0x1B260] =	vst v63  }
0x39: {  	_ =	swait.ge [sflag:s14], $0x1400  }
0x3a: {  	[sflag:s14] =	ssyncset.done $0x0  }
0x3b: {  	[sflag:s14] =	ssyncadd.s32 $0xFFFFEC00  }
0x3c: {  	[tilespmem:s17], [sflag:$0x1] =	stream.indirect.gather [hbm4b:s7+s15], $0x80, s20, s15, $0xb8;
	[tilespmem:$0x1B260] =	vst v63  }
0x3d: {  	_ =	swait.ge [sflag:s14], $0x1400  }
0x3e: {  	[sflag:s14] =	ssyncset.done $0x0  }
0x3f: {  	[sflag:s14] =	ssyncadd.s32 $0xFFFFEC00  }
0x40: {  	[tilespmem:s18], [sflag:$0x1] =	stream.indirect.gather [hbm4b:s8+s15], $0x80, s20, s15, $0xb8;
	[tilespmem:$0x1B260] =	vst v63  }
0x41: {  	_ =	swait.ge [sflag:s14], $0x1400  }
0x42: {  	[sflag:s14] =	ssyncset.done $0x0  }
0x43: {  	s22 =	simm.s32 $0x0;
	[sflag:s14] =	ssyncadd.s32 $0xFFFFEC00  }
0x44: {  	v1 =	vld [tilespmem:s22+$0x1460]  }
0x45: {  	v2 =	vld [tilespmem:s22+$0x50]  }
0x46: {  	v3 =	vld [tilespmem:s22+$0x60]  }
0x47: {  	v4 =	vld [tilespmem:s22+$0x1450];
	_ =	sdelay $0x4  }
0x48: {  	v1 =	vmul.f32 v1, v3;
	v2 =	vmul.f32 v4, v2;
	_ =	sdelay $0x1  }
0x49: {  	v1 =	vadd.f32 v1, v2;
	_ =	sdelay $0x1  }
0x4a: {  	(xrf2) =	vadd.scan.msk.f32 $0xffff, v1;
	_ =	sdelay $0x9  }
0x4b: {  	v1, _, _ =	vpop (xrf2)  }
0x4c: {  	v1 =	vmul.f32 $1.442695020e+00, v1;
	_ =	sdelay $0x1  }
0x4d: {  	v1 =	vbroadcast v1, $0xF;
	_ =	sdelay $0x1  }
0x4e: {  	(erf) = vpow2.f32 v1;
	_ =	sdelay $0x4  }
0x4f: {  	v2 =	vld [tilespmem:s22+$0x2850];
	_ =	sdelay $0x3  }
0x50: {  	v1 =	vpop (erf)  }
0x51: {  	v2 =	vmul.f32 v1, v2  }
0x52: {  	s23 =	simm.s32 $0x3C90  }
0x53: {  	[tilespmem:s23+$0xFFFFFFC0] =	vst v2  }
0x54: {  	v2 =	vld [tilespmem:s22+$0x2860];
	_ =	sdelay $0x4  }
0x55: {  	v2 =	vmul.f32 v1, v2;
	_ =	sdelay $0x1  }
0x56: {  	[tilespmem:s23+$0xFFFFFFD0] =	vst v2  }
0x57: {  	v2 =	vld [tilespmem:s22+$0x70]  }
0x58: {  	v3 =	vld [tilespmem:s22+$0x1470]  }
0x59: {  	v4 =	vld [tilespmem:s22+$0x1480]  }
0x5a: {  	v5 =	vld [tilespmem:s22+$0x80];
	_ =	sdelay $0x4  }
0x5b: {  	v2 =	vmul.f32 v3, v2;
	v3 =	vmul.f32 v4, v5;
	_ =	sdelay $0x1  }
0x5c: {  	v2 =	vadd.f32 v3, v2;
	_ =	sdelay $0x1  }
0x5d: {  	(xrf2) =	vadd.scan.msk.f32 $0xffff, v2;
	_ =	sdelay $0x9  }
0x5e: {  	v2, _, _ =	vpop (xrf2)  }
0x5f: {  	v2 =	vmul.f32 $1.442695020e+00, v2;
	_ =	sdelay $0x1  }
0x60: {  	v2 =	vbroadcast v2, $0xF;
	_ =	sdelay $0x1  }
0x61: {  	(erf) = vpow2.f32 v2;
	_ =	sdelay $0x4  }
0x62: {  	v3 =	vld [tilespmem:s22+$0x2870];
	_ =	sdelay $0x3  }
0x63: {  	v2 =	vpop (erf)  }
0x64: {  	v3 =	vmul.f32 v2, v3;
	_ =	sdelay $0x1  }
0x65: {  	[tilespmem:s23+$0xFFFFFFE0] =	vst v3  }
0x66: {  	v3 =	vld [tilespmem:s22+$0x2880];
	_ =	sdelay $0x4  }
0x67: {  	v3 =	vmul.f32 v2, v3;
	_ =	sdelay $0x1  }
0x68: {  	[tilespmem:s23+$0xFFFFFFF0] =	vst v3  }
0x69: {  	v3 =	vld [tilespmem:s22+$0x90]  }
0x6a: {  	v4 =	vld [tilespmem:s22+$0x1490]  }
0x6b: {  	v5 =	vld [tilespmem:s22+$0x14A0]  }
0x6c: {  	v6 =	vld [tilespmem:s22+$0xA0];
	_ =	sdelay $0x4  }
0x6d: {  	v3 =	vmul.f32 v4, v3;
	v4 =	vmul.f32 v5, v6;
	_ =	sdelay $0x1  }
0x6e: {  	v3 =	vadd.f32 v4, v3;
	_ =	sdelay $0x1  }
0x6f: {  	(xrf2) =	vadd.scan.msk.f32 $0xffff, v3;
	_ =	sdelay $0x9  }
0x70: {  	v3, _, _ =	vpop (xrf2)  }
0x71: {  	v3 =	vmul.f32 $1.442695020e+00, v3;
	_ =	sdelay $0x1  }
0x72: {  	v3 =	vbroadcast v3, $0xF;
	_ =	sdelay $0x1  }
0x73: {  	(erf) = vpow2.f32 v3;
	_ =	sdelay $0x4  }
0x74: {  	v4 =	vld [tilespmem:s22+$0x2890];
	_ =	sdelay $0x3  }
0x75: {  	v3 =	vpop (erf)  }
0x76: {  	v4 =	vmul.f32 v3, v4;
	_ =	sdelay $0x1  }
0x77: {  	[tilespmem:s23+$0x0] =	vst v4  }
0x78: {  	v4 =	vld [tilespmem:s22+$0x28A0];
	_ =	sdelay $0x4  }
0x79: {  	v4 =	vmul.f32 v3, v4;
	_ =	sdelay $0x1  }
0x7a: {  	[tilespmem:s23+$0x10] =	vst v4  }
0x7b: {  	v4 =	vld [tilespmem:s22+$0xB0]  }
0x7c: {  	v5 =	vld [tilespmem:s22+$0x14C0]  }
0x7d: {  	v6 =	vld [tilespmem:s22+$0x14B0]  }
0x7e: {  	v7 =	vld [tilespmem:s22+$0xC0];
	_ =	sdelay $0x4  }
0x7f: {  	v4 =	vmul.f32 v6, v4;
	v5 =	vmul.f32 v5, v7;
	_ =	sdelay $0x1  }
0x80: {  	v4 =	vadd.f32 v5, v4;
	_ =	sdelay $0x1  }
0x81: {  	(xrf2) =	vadd.scan.msk.f32 $0xffff, v4;
	_ =	sdelay $0x9  }
0x82: {  	v4, _, _ =	vpop (xrf2)  }
0x83: {  	v4 =	vmul.f32 $1.442695020e+00, v4;
	_ =	sdelay $0x1  }
0x84: {  	v5 =	vbroadcast v4, $0xF;
	_ =	sdelay $0x1  }
0x85: {  	s25 =	simm.s32 $0x200;
	s24 =	simm.s32 $0x3C90;
	v4 =	vld [tilespmem:s22+$0x28B0];
	(erf) = vpow2.f32 v5  }
.LBB2_7:
0x86: {  	_ =	sdelay $0x5  }
0x87: {  	p0 =	sne.s32 s25, $0x4E00  }
0x88: {  	s23 =	sadd.s32 $0x90, s23;
	s26 =	smov.u32 s25;
	s25 =	sadd.s32 $0x200, s25  }
0x89: {  	v5 =	vpop (erf)  }
0x8a: {  	v1 =	vnsel vm0, $0x0, v1;
	v4 =	vmul.f32 v5, v4  }
0x8b: {  	v1 =	vsel vm1, v1, v2  }
0x8c: {  	v1 =	vsel vm2, v1, v3;
	[tilespmem:s24+$0x20] =	vst v4  }
0x8d: {  	v1 =	vsel vm3, v1, v5;
	v2 =	vld [tilespmem:s22+$0x28C0]  }
0x8e: {  	[tilespmem:s24+$0x40] =	vst v1;
	_ =	sdelay $0x3  }
0x8f: {  	v1 =	vmul.f32 v5, v2;
	_ =	sdelay $0x1  }
0x90: {  	s22 =	sshra.s32 s26, $0x2;
	[tilespmem:s24+$0x30] =	vst v1;
	s24 =	smov.u32 s23  }
0x91: {  	v1 =	vld [tilespmem:s22+$0x1460]  }
0x92: {  	v2 =	vld [tilespmem:s22+$0x50]  }
0x93: {  	v3 =	vld [tilespmem:s22+$0x60]  }
0x94: {  	v4 =	vld [tilespmem:s22+$0x1450];
	_ =	sdelay $0x3  }
0x95: {  	v1 =	vmul.f32 v1, v3  }
0x96: {  	v2 =	vmul.f32 v4, v2;
	_ =	sdelay $0x1  }
0x97: {  	v1 =	vadd.f32 v1, v2;
	_ =	sdelay $0x1  }
0x98: {  	(xrf2) =	vadd.scan.msk.f32 $0xffff, v1;
	_ =	sdelay $0x9  }
0x99: {  	v1, _, _ =	vpop (xrf2)  }
0x9a: {  	v1 =	vmul.f32 $1.442695020e+00, v1;
	_ =	sdelay $0x1  }
0x9b: {  	v1 =	vbroadcast v1, $0xF;
	_ =	sdelay $0x1  }
0x9c: {  	(erf) = vpow2.f32 v1;
	_ =	sdelay $0x4  }
0x9d: {  	v2 =	vld [tilespmem:s22+$0x2850];
	_ =	sdelay $0x3  }
0x9e: {  	v1 =	vpop (erf)  }
0x9f: {  	v2 =	vmul.f32 v1, v2;
	_ =	sdelay $0x1  }
0xa0: {  	[tilespmem:s23+$0xFFFFFFC0] =	vst v2  }
0xa1: {  	v2 =	vld [tilespmem:s22+$0x2860];
	_ =	sdelay $0x4  }
0xa2: {  	v2 =	vmul.f32 v1, v2;
	_ =	sdelay $0x1  }
0xa3: {  	[tilespmem:s23+$0xFFFFFFD0] =	vst v2  }
0xa4: {  	v2 =	vld [tilespmem:s22+$0x70]  }
0xa5: {  	v3 =	vld [tilespmem:s22+$0x1470]  }
0xa6: {  	v4 =	vld [tilespmem:s22+$0x1480]  }
0xa7: {  	v5 =	vld [tilespmem:s22+$0x80];
	_ =	sdelay $0x2  }
0xa8: {  	v2 =	vmul.f32 v3, v2;
	_ =	sdelay $0x1  }
0xa9: {  	v3 =	vmul.f32 v4, v5;
	_ =	sdelay $0x1  }
0xaa: {  	v2 =	vadd.f32 v3, v2;
	_ =	sdelay $0x1  }
0xab: {  	(xrf2) =	vadd.scan.msk.f32 $0xffff, v2;
	_ =	sdelay $0x9  }
0xac: {  	v2, _, _ =	vpop (xrf2)  }
0xad: {  	v2 =	vmul.f32 $1.442695020e+00, v2;
	_ =	sdelay $0x1  }
0xae: {  	v2 =	vbroadcast v2, $0xF;
	_ =	sdelay $0x1  }
0xaf: {  	(erf) = vpow2.f32 v2;
	_ =	sdelay $0x4  }
0xb0: {  	v3 =	vld [tilespmem:s22+$0x2870];
	_ =	sdelay $0x3  }
0xb1: {  	v2 =	vpop (erf)  }
0xb2: {  	v3 =	vmul.f32 v2, v3;
	_ =	sdelay $0x1  }
0xb3: {  	[tilespmem:s23+$0xFFFFFFE0] =	vst v3  }
0xb4: {  	v3 =	vld [tilespmem:s22+$0x2880];
	_ =	sdelay $0x4  }
0xb5: {  	v3 =	vmul.f32 v2, v3;
	_ =	sdelay $0x1  }
0xb6: {  	[tilespmem:s23+$0xFFFFFFF0] =	vst v3  }
0xb7: {  	v3 =	vld [tilespmem:s22+$0x90]  }
0xb8: {  	v4 =	vld [tilespmem:s22+$0x1490]  }
0xb9: {  	v5 =	vld [tilespmem:s22+$0x14A0]  }
0xba: {  	v6 =	vld [tilespmem:s22+$0xA0];
	_ =	sdelay $0x2  }
0xbb: {  	v3 =	vmul.f32 v4, v3;
	_ =	sdelay $0x1  }
0xbc: {  	v4 =	vmul.f32 v5, v6;
	_ =	sdelay $0x1  }
0xbd: {  	v3 =	vadd.f32 v4, v3;
	_ =	sdelay $0x1  }
0xbe: {  	(xrf2) =	vadd.scan.msk.f32 $0xffff, v3;
	_ =	sdelay $0x9  }
0xbf: {  	v3, _, _ =	vpop (xrf2)  }
0xc0: {  	v3 =	vmul.f32 $1.442695020e+00, v3;
	_ =	sdelay $0x1  }
0xc1: {  	v3 =	vbroadcast v3, $0xF;
	_ =	sdelay $0x1  }
0xc2: {  	(erf) = vpow2.f32 v3;
	_ =	sdelay $0x4  }
0xc3: {  	v4 =	vld [tilespmem:s22+$0x2890];
	_ =	sdelay $0x3  }
0xc4: {  	v3 =	vpop (erf)  }
0xc5: {  	v4 =	vmul.f32 v3, v4;
	_ =	sdelay $0x1  }
0xc6: {  	[tilespmem:s23+$0x0] =	vst v4  }
0xc7: {  	v4 =	vld [tilespmem:s22+$0x28A0];
	_ =	sdelay $0x4  }
0xc8: {  	v4 =	vmul.f32 v3, v4;
	_ =	sdelay $0x1  }
0xc9: {  	[tilespmem:s23+$0x10] =	vst v4  }
0xca: {  	v5 =	vld [tilespmem:s22+$0xB0]  }
0xcb: {  	v6 =	vld [tilespmem:s22+$0x14C0]  }
0xcc: {  	v7 =	vld [tilespmem:s22+$0x14B0]  }
0xcd: {  	v8 =	vld [tilespmem:s22+$0xC0]  }
0xce: {  	v4 =	vld [tilespmem:s22+$0x28B0];
	_ =	sdelay $0x2  }
0xcf: {  	v5 =	vmul.f32 v7, v5  }
0xd0: {  	v6 =	vmul.f32 v6, v8;
	_ =	sdelay $0x1  }
0xd1: {  	v5 =	vadd.f32 v6, v5;
	_ =	sdelay $0x1  }
0xd2: {  	(xrf2) =	vadd.scan.msk.f32 $0xffff, v5;
	_ =	sdelay $0x9  }
0xd3: {  	v5, _, _ =	vpop (xrf2)  }
.Ltmp2:
0xd4: {  	v5 =	vmul.f32 $1.442695020e+00, v5;
	(pc) =	sbr.rel @p0 .LBB2_7-.Ltmp2, $3  }
0xd5: {  	_ = 	snop  }
0xd6: {  	v5 =	vbroadcast v5, $0xF;
	_ =	sdelay $0x1  }
0xd7: {  	(erf) = vpow2.f32 v5  }
0xd8: {  	_ =	sdelay $0x7  }
0xd9: {  	v5 =	vpop (erf)  }
0xda: {  	v4 =	vmul.f32 v5, v4;
	_ =	sdelay $0x1  }
0xdb: {  	[tilespmem:s24+$0x20] =	vst v4  }
0xdc: {  	v4 =	vld [tilespmem:s22+$0x28C0];
	_ =	sdelay $0x1  }
0xdd: {  	v1 =	vnsel vm0, $0x0, v1  }
0xde: {  	v1 =	vsel vm1, v1, v2  }
0xdf: {  	v1 =	vsel vm2, v1, v3  }
0xe0: {  	s21 =	sadd.s32 $0x1, s21;
	v1 =	vsel vm3, v1, v5;
	v2 =	vmul.f32 v5, v4  }
0xe1: {  	p0 =	sne.s32 s21, $0xFA;
	[tilespmem:s24+$0x40] =	vst v1  }
.Ltmp3:
0xe2: {  	[tilespmem:s24+$0x30] =	vst v2;
	(pc) =	sbr.rel @p0 .LBB2_6-.Ltmp3, $4  }
0xe3: {  	[spmem:s2] =	stream.indirect.scatter.add.f32 [tilespmem:s13], [sflag:$0x1], $0x90, s15, s15, $0xb8;
	[tilespmem:$0x1B260] =	vst v63  }
0xe4: {  	_ =	swait.ge [sflag:s14], $0x1680  }
0xe5: {  	[sflag:s14] =	ssyncset.done $0x0  }
0xe6: {  	[sflag:s14] =	ssyncadd.s32 $0xFFFFE980  }
0xe7: {  	[bflag:$0x0] =	sbarrier.arrive $0xFFFF  }
0xe8: {  	[tilespmem:s13], [sflag:$0x1] =	stream.linear.gather [spmem:s11], $0xE10, $0x38;
	[tilespmem:$0x1B260] =	vst v63  }
0xe9: {  	_ =	swait.ge [sflag:s14], $0xE10  }
0xea: {  	[sflag:s14] =	ssyncset.done $0x0  }
0xeb: {  	s20 =	sadd.s32 $0x0, s12;
	[sflag:s14] =	ssyncadd.s32 $0xFFFFF1F0  }
0xec: {  	[hbm4b:s20+s4] =	stream.linear.scatter [tilespmem:s13], [sflag:$0x1], $0xE10, $0x38;
	[tilespmem:$0x1B260] =	vst v63  }
0xed: {  	_ =	swait.ge [sflag:s14], $0xE10  }
0xee: {  	s21 =	smov.u32 s11;
	s20 =	simm.s32 $0x1C2;
	[sflag:s14] =	ssyncset.done $0x0  }
.LBB2_10:
0xef: {  	p0 =	sne.s32 s20, $0x2A30;
	[sflag:s14] =	ssyncadd.s32 $0xFFFFF1F0;
	s21 =	sadd.s32 $0xE10, s21  }
0xf0: {  	[tilespmem:s13], [sflag:$0x1] =	stream.linear.gather [spmem:s21], $0xE10, $0x38;
	[tilespmem:$0x1B260] =	vst v63  }
0xf1: {  	s22 =	smov.u32 s20;
	s20 =	sadd.s32 $0x1C2, s20;
	_ =	swait.ge [sflag:s14], $0xE10  }
.Ltmp4:
0xf2: {  	[sflag:s14] =	ssyncset.done $0x0;
	(pc) =	sbr.rel @p0 .LBB2_10-.Ltmp4, $4  }
0xf3: {  	s22 =	sadd.s32 s22, s12;
	[sflag:s14] =	ssyncadd.s32 $0xFFFFF1F0  }
0xf4: {  	[hbm4b:s22+s4] =	stream.linear.scatter [tilespmem:s13], [sflag:$0x1], $0xE10, $0x38;
	[tilespmem:$0x1B260] =	vst v63  }
0xf5: {  	_ =	swait.ge [sflag:s14], $0xE10  }
0xf6: {  	[sflag:s14] =	ssyncset.done $0x0  }
0xf7: {  	s19 =	sadd.s32 $0x1, s19  }
0xf8: {  	p0 =	sne.s32 s19, s10  }
.Ltmp5:
0xf9: {  	_ = 	snop;
	(pc) =	sbr.rel @p0 .LBB2_1-.Ltmp5, $2  }
0xfa: {  	_ =	sdelay $0x2  }
0xfb: {  	[sflag:s14] =	ssyncadd.s32 $0xFFFFF1F0  }
0xfc: {  	_ =	sfence.sel $0x180000  }
0xfd: {  	[bflag:$0x0] =	sbarrier.arrive $0xFFFF  }
0xfe: {  	p0 =	sne.s32 s3, $0x0;
	_ =	strace $0x90000047  }
0xff: {  	s0 =	sadd.s32 @!p0 $0x100000, s0;
	[bflag:$0x2] =	sbarrier.arrive $0xFFFF  }
0x100: {  	[sflag:s0] =	ssyncadd.tile.s32 @!p0 $0x1;
	_ =	shalt  }
.Lfunc_end2:
_tile_overlayer_lowered:
.L_overlay_start_2:
0x101: {  	(tag) =	ssettag $0x2  }
0x102: {  	s0 =	rddreg [dreg:$0x0];
	s2 =	stileid.u32  }
0x103: {  	s1 =	rddreg [dreg:$0x1];
	p0 =	sne.s32 s2, $0x0  }
0x104: {  	s3 =	rddreg [dreg:$0x2];
	[bflag:$0x3] =	sbarrier.arrive $0xFFFF;
	s2 =	simm.s32 @!p0 $0x1C01  }
0x105: {  	[timem:s3], [sflag:s2] =	dma.local @!p0 [hbm:s0], s1  }
0x106: {  	s0 =	simm.s32 @!p0 $0x1  }
0x107: {  	_ =	swait.ge @!p0 [sflag:s0], s1  }
0x108: {  	s1 =	ssub.s32 @!p0 $0x0, s1;
	[sflag:s0] =	ssyncset.done @!p0 $0x0  }
0x109: {  	[sflag:s0] =	ssyncadd.s32 @!p0 s1  }
0x10a: {  	[bflag:$0x3] =	sbarrier.arrive $0xFFFF  }
0x10b: {  	_ =	shalt  }

</sc_bundles>
